<compile_context>
chip_gen: v7x
topology: tpu7x:2x2x1
jax: 0.10.2.dev20260603
libtpu: 0.0.44.dev20260713+nightly
codegen_flags: <defaults>
</compile_context>

<pallas_src>
import functools

import jax
import jax.numpy as jnp
from jax import lax
from jax.experimental import pallas as pl
from jax.experimental.pallas import tpu as pltpu
from jax.experimental.pallas import tpu_sc as plsc

N = 10000
E = 320000
D = 128

NC = 2
NS = 16
NW = NC * NS
EPW = E // NW
CHUNK = 80
NCHUNK = EPW // CHUNK
NBLK = 5
BCHUNK = NCHUNK // NBLK
NPAD = 10240
STRIPE = NPAD // NS
ZROWS = STRIPE // 4

_MESH = plsc.VectorSubcoreMesh(core_axis_name="c", subcore_axis_name="s")



@functools.partial(
    pl.kernel,
    out_type=jax.ShapeDtypeStruct((NC, 2, NPAD), jnp.float32),
    mesh=_MESH,
    scratch_types=[
        pltpu.VMEM((NCHUNK, CHUNK), jnp.int32),
        pltpu.VMEM((NCHUNK, CHUNK), jnp.int32),
        pltpu.VMEM((CHUNK,), jnp.float32),
        pltpu.VMEM_SHARED((NPAD,), jnp.float32),
        pltpu.VMEM_SHARED((NPAD,), jnp.float32),
        pltpu.SemaphoreType.DMA((2,)),
    ],
)
def _sc_degrees(src_hbm, dst_hbm, ones_hbm, zeros1_hbm, out_hbm,
                src_v, dst_v, ones_v, acc_out, acc_in, sems):
    cid = lax.axis_index("c")
    sid = lax.axis_index("s")
    wid = sid * NC + cid
    base = sid * STRIPE
    pltpu.sync_copy(zeros1_hbm, acc_out.at[pl.ds(base, STRIPE)])
    pltpu.sync_copy(zeros1_hbm, acc_in.at[pl.ds(base, STRIPE)])
    pltpu.sync_copy(src_hbm.at[wid], src_v)
    pltpu.sync_copy(dst_hbm.at[wid], dst_v)
    pltpu.sync_copy(ones_hbm, ones_v)
    plsc.subcore_barrier()

    def body(j, carry):
        pltpu.async_copy(ones_v, acc_out.at[src_v.at[j]], sems.at[0],
                         add=True)
        pltpu.async_copy(ones_v, acc_in.at[dst_v.at[j]], sems.at[1],
                         add=True)

        @pl.when(j >= 4)
        def _():
            pltpu.make_async_copy(ones_v, acc_out.at[src_v.at[0]],
                                  sems.at[0]).wait()
            pltpu.make_async_copy(ones_v, acc_in.at[dst_v.at[0]],
                                  sems.at[1]).wait()

        return carry

    lax.fori_loop(0, NCHUNK, body, 0)

    def drain(i, carry):
        pltpu.make_async_copy(ones_v, acc_out.at[src_v.at[0]],
                              sems.at[0]).wait()
        pltpu.make_async_copy(ones_v, acc_in.at[dst_v.at[0]],
                              sems.at[1]).wait()
        return carry

    lax.fori_loop(0, 4, drain, 0)
    plsc.subcore_barrier()
    pltpu.sync_copy(acc_out.at[pl.ds(base, STRIPE)],
                    out_hbm.at[cid, 0, pl.ds(base, STRIPE)])
    pltpu.sync_copy(acc_in.at[pl.ds(base, STRIPE)],
                    out_hbm.at[cid, 1, pl.ds(base, STRIPE)])


@functools.partial(
    pl.kernel,
    out_type=jax.ShapeDtypeStruct((NC, NPAD, D), jnp.float32),
    mesh=_MESH,
    scratch_types=[
        pltpu.VMEM((2, BCHUNK, CHUNK), jnp.int32),
        pltpu.VMEM((2, BCHUNK, CHUNK), jnp.int32),
        pltpu.VMEM((3, CHUNK, D), jnp.float32),
        pltpu.VMEM_SHARED((NPAD, D), jnp.float32),
        pltpu.SemaphoreType.DMA((3,)),
        pltpu.SemaphoreType.DMA,
    ],
)
def _sc_scatter_rows(src_hbm, dst_hbm, xs_hbm, zeros2_hbm, out_hbm,
                     src_v, dst_v, rows_v, acc, sems, zsem):
    cid = lax.axis_index("c")
    sid = lax.axis_index("s")
    wid = sid * NC + cid
    base = sid * STRIPE

    def zbody(i, carry):
        pltpu.async_copy(zeros2_hbm, acc.at[pl.ds(base + i * ZROWS, ZROWS)],
                         zsem)
        return carry

    lax.fori_loop(0, 4, zbody, 0)
    pltpu.sync_copy(src_hbm.at[wid, 0], src_v.at[0])
    pltpu.sync_copy(dst_hbm.at[wid, 0], dst_v.at[0])

    def zdrain(i, carry):
        pltpu.make_async_copy(zeros2_hbm,
                              acc.at[pl.ds(base + i * ZROWS, ZROWS)],
                              zsem).wait()
        return carry

    lax.fori_loop(0, 4, zdrain, 0)
    plsc.subcore_barrier()

    def gstart(p, o, b):
        pltpu.async_copy(xs_hbm.at[src_v.at[p, o]], rows_v.at[b],
                         sems.at[b])

    def gwait(p, o, b):
        pltpu.make_async_copy(xs_hbm.at[src_v.at[p, o]],
                              rows_v.at[b], sems.at[b]).wait()

    def sstart(p, o, b):
        pltpu.async_copy(rows_v.at[b], acc.at[dst_v.at[p, o]], sems.at[b],
                         add=True)

    def swait(p, o, b):
        pltpu.make_async_copy(rows_v.at[b], acc.at[dst_v.at[p, o]],
                              sems.at[b]).wait()

    gstart(0, 0, 0)
    gstart(0, 1, 1)

    def blk_body(blk, carry):
        p = lax.rem(blk, 2)

        def body(o, c_):
            c = blk * BCHUNK + o
            b = lax.rem(c, 3)

            gwait(p, o, b)
            sstart(p, o, b)

            @pl.when(c >= 1)
            def _():
                swait(p, 0, lax.rem(c + 2, 3))

            @pl.when(jnp.logical_and(o == 0, blk + 1 < NBLK))
            def _():
                pltpu.async_copy(src_hbm.at[wid, blk + 1],
                                 src_v.at[1 - p], zsem)
                pltpu.async_copy(dst_hbm.at[wid, blk + 1],
                                 dst_v.at[1 - p], zsem)

            @pl.when(jnp.logical_and(o == BCHUNK - 2, blk + 1 < NBLK))
            def _():
                pltpu.make_async_copy(src_hbm.at[wid, blk + 1],
                                      src_v.at[1 - p], zsem).wait()
                pltpu.make_async_copy(dst_hbm.at[wid, blk + 1],
                                      dst_v.at[1 - p], zsem).wait()

            @pl.when(c + 2 < NCHUNK)
            def _():
                nxt = o >= BCHUNK - 2
                p2 = lax.rem(blk + nxt.astype(jnp.int32), 2)
                o2 = jnp.where(nxt, o + 2 - BCHUNK, o + 2)
                gstart(p2, o2, lax.rem(c + 2, 3))

            return c_

        lax.fori_loop(0, BCHUNK, body, 0)
        return carry

    lax.fori_loop(0, NBLK, blk_body, 0)
    swait((NBLK - 1) % 2, 0, (NCHUNK - 1) % 3)
    plsc.subcore_barrier()
    pltpu.sync_copy(acc.at[pl.ds(base, STRIPE)],
                    out_hbm.at[cid, pl.ds(base, STRIPE)])



def _tc_norms_body(deg_ref, h_ref, xs_ref, nout_ref, nin_ref):
    out_deg = deg_ref[0, 0] + deg_ref[1, 0]
    in_deg = deg_ref[0, 1] + deg_ref[1, 1]
    norm_out = lax.rsqrt(jnp.maximum(out_deg, 1.0))[:N]
    norm_in = lax.rsqrt(jnp.maximum(in_deg, 1.0))[:N]
    xs_ref[...] = h_ref[...] * norm_out
    nout_ref[...] = norm_out
    nin_ref[...] = norm_in


def _tc_layer1_body(aggp_ref, nin_ref, nout_ref, w_ref, b_ref,
                    xs2_ref, skip_ref):
    agg = (aggp_ref[0] + aggp_ref[1])[:N] * nin_ref[...]
    x = jnp.dot(agg, w_ref[...], preferred_element_type=jnp.float32)
    x = jnp.maximum(x + b_ref[...], 0.0)
    skip_ref[...] = jnp.sum(x, axis=0, keepdims=True) * (1.0 / N)
    xs2_ref[...] = x * nout_ref[...]


def _tc_layer2_body(aggp_ref, nin_ref, w_ref, b_ref, skip1_ref, out_ref):
    agg = (aggp_ref[0] + aggp_ref[1])[:N] * nin_ref[...]
    x = jnp.dot(agg, w_ref[...], preferred_element_type=jnp.float32)
    x = jnp.maximum(x + b_ref[...], 0.0)
    out_ref[...] = skip1_ref[...] + 2.0 * (jnp.sum(x, axis=0, keepdims=True)
                                           * (1.0 / N))


_tc_norms = pl.pallas_call(
    _tc_norms_body,
    out_shape=(
        jax.ShapeDtypeStruct((N, D), jnp.float32),
        jax.ShapeDtypeStruct((N, 1), jnp.float32),
        jax.ShapeDtypeStruct((N, 1), jnp.float32),
    ),
)

_tc_layer1 = pl.pallas_call(
    _tc_layer1_body,
    out_shape=(
        jax.ShapeDtypeStruct((N, D), jnp.float32),
        jax.ShapeDtypeStruct((1, D), jnp.float32),
    ),
)

_tc_layer2 = pl.pallas_call(
    _tc_layer2_body,
    out_shape=jax.ShapeDtypeStruct((1, D), jnp.float32),
)



@jax.jit
def kernel(h, edge_index, W1, b1, W2, b2):
    src3 = edge_index[0].reshape(NW, NCHUNK, CHUNK)
    dst3 = edge_index[1].reshape(NW, NCHUNK, CHUNK)
    src4 = src3.reshape(NW, NBLK, BCHUNK, CHUNK)
    dst4 = dst3.reshape(NW, NBLK, BCHUNK, CHUNK)
    ones = jnp.ones((CHUNK,), jnp.float32)
    zeros1 = jnp.zeros((STRIPE,), jnp.float32)
    zeros2 = jnp.zeros((ZROWS, D), jnp.float32)

    deg = _sc_degrees(src3, dst3, ones, zeros1)
    deg4 = deg.reshape(NC, 2, NPAD, 1)
    xs1, norm_out, norm_in = _tc_norms(deg4, h)

    agg1 = _sc_scatter_rows(src4, dst4, xs1, zeros2)
    xs2, skip1 = _tc_layer1(agg1, norm_in, norm_out, W1, b1.reshape(1, D))

    agg2 = _sc_scatter_rows(src4, dst4, xs2, zeros2)
    return _tc_layer2(agg2, norm_in, W2, b2.reshape(1, D), skip1)

# --- scband reference (transcript-rebuilt; emitter-appended) ---
"""Pipeline reference for scband-gcn-5978594476289 (READ-ONLY COPY).

The authoritative reference and input builder live on the scoring server;
editing this copy changes nothing except your own understanding.
"""

import jax, jax.numpy as jnp
import numpy as np

N = 10000
E = 320000
D_IN = 128
D_EMB = 128


def _glorot(key, fan_in, fan_out):
    limit = np.sqrt(6.0 / (fan_in + fan_out))
    return jax.random.uniform(key, (fan_in, fan_out), minval=-limit, maxval=limit, dtype=jnp.float32)


def setup_inputs(seed: int = 0) -> dict:
    key = jax.random.key(seed)
    k1, k2, k3, k4 = jax.random.split(key, 4)
    h = jax.random.normal(k1, (N, D_IN), dtype=jnp.float32)
    edge_index = jax.random.randint(k2, (2, E), 0, N, dtype=jnp.int32)
    W1 = _glorot(k3, D_IN, D_EMB)
    b1 = jnp.zeros((D_EMB,), dtype=jnp.float32)
    W2 = _glorot(k4, D_EMB, D_EMB)
    b2 = jnp.zeros((D_EMB,), dtype=jnp.float32)
    return {"h": h, "edge_index": edge_index, "W1": W1, "b1": b1, "W2": W2, "b2": b2}


def _gcn_conv(x, W, b, src, dst):
    # DGL GraphConv with norm='both': D_out^{-1/2} A D_in^{-1/2} x W + b
    ones = jnp.ones((src.shape[0],), dtype=jnp.float32)
    out_deg = jnp.zeros((N,), dtype=jnp.float32).at[src].add(ones)
    in_deg = jnp.zeros((N,), dtype=jnp.float32).at[dst].add(ones)
    norm_out = jax.lax.rsqrt(jnp.clip(out_deg, 1.0))
    norm_in = jax.lax.rsqrt(jnp.clip(in_deg, 1.0))
    xs = x * norm_out[:, None]
    msgs = jnp.take(xs, src, axis=0)
    agg = jnp.zeros((N, x.shape[1]), dtype=jnp.float32).at[dst].add(msgs)
    agg = agg * norm_in[:, None]
    return agg @ W + b


def reference(h, edge_index, W1, b1, W2, b2):
    src = edge_index[0]
    dst = edge_index[1]
    x = jax.nn.relu(_gcn_conv(h, W1, b1, src, dst))
    skip_conn1 = jnp.mean(x, axis=0, keepdims=True)  # AvgPooling over single graph
    x = jax.nn.relu(_gcn_conv(x, W2, b2, src, dst))
    skip_conn2 = jnp.mean(x, axis=0, keepdims=True)
    x = jnp.mean(x, axis=0, keepdims=True)
    output = skip_conn1 + skip_conn2 + x
    return output

if __name__ == "__main__":
    import jax
    _d = setup_inputs()
    print(jax.jit(kernel)(*tuple(_d.values())))

</pallas_src>

<mosaic_0001>
#map = affine_map<(d0, d1) -> (0, 0, 0)>
#map1 = affine_map<(d0, d1) -> (0)>
module attributes {stable_mosaic.version = 14 : i64} {
  func.func @_sc_degrees(%arg0: i32, %arg1: i32, %arg2: memref<32x125x80xi32, #tpu.memory_space<hbm>>, %arg3: memref<32x125x80xi32, #tpu.memory_space<hbm>>, %arg4: memref<80xf32, #tpu.memory_space<hbm>>, %arg5: memref<640xf32, #tpu.memory_space<hbm>>, %arg6: memref<2x2x10240xf32, #tpu.memory_space<hbm>>, %arg7: memref<125x80xi32, #tpu.memory_space<vmem>>, %arg8: memref<125x80xi32, #tpu.memory_space<vmem>>, %arg9: memref<80xf32, #tpu.memory_space<vmem>>, %arg10: memref<10240xf32, #tpu.memory_space<vmem_shared>>, %arg11: memref<10240xf32, #tpu.memory_space<vmem_shared>>, %arg12: memref<2x!tpu.dma_semaphore, #tpu.memory_space<semaphore_mem>>) attributes {dimension_semantics = [#tpu.dimension_semantics<core_parallel>, #tpu.dimension_semantics<subcore_parallel>], iteration_bounds = array<i64: 2, 16>, scalar_prefetch = 0 : i64, scratch_operands = 6 : i64, tpu.core_type = #tpu.core_type<sc_vector_subcore>, window_params = [{transform_indices = #map}, {transform_indices = #map}, {transform_indices = #map1}, {transform_indices = #map1}, {transform_indices = #map}]} {
    %mul3A = arith.constant 2 : i32
    %mul3A_0 = arith.muli %arg1, %mul3A : i32
    %add3A = arith.addi %mul3A_0, %arg0 : i32
    %mul3A_1 = arith.constant 640 : i32
    %mul3A_2 = arith.muli %arg1, %mul3A_1 : i32
    "tpu.region"() ({
      %run_scoped3A_16 = tpu.sem_alloc : memref<!tpu.dma_semaphore, #tpu.memory_space<semaphore_mem>>
      %dma_start3A = tpu.memref_slice %arg10[%mul3A_2] : memref<10240xf32, #tpu.memory_space<vmem_shared>> -> memref<640xf32, #tpu.memory_space<vmem_shared>>
      tpu.enqueue_dma source(%arg5 : memref<640xf32, #tpu.memory_space<hbm>>) target(%dma_start3A : memref<640xf32, #tpu.memory_space<vmem_shared>>) target_semaphore(%run_scoped3A_16 : memref<!tpu.dma_semaphore, #tpu.memory_space<semaphore_mem>>)
      %dma_wait3A = tpu.memref_slice %arg10[%mul3A_2] : memref<10240xf32, #tpu.memory_space<vmem_shared>> -> memref<640xf32, #tpu.memory_space<vmem_shared>>
      tpu.wait_dma2 semaphore(%run_scoped3A_16 : memref<!tpu.dma_semaphore, #tpu.memory_space<semaphore_mem>>) src(%arg5 : memref<640xf32, #tpu.memory_space<hbm>>) dst(%dma_wait3A : memref<640xf32, #tpu.memory_space<vmem_shared>>)
      tpu.yield
    }) : () -> ()
    "tpu.region"() ({
      %run_scoped3A_16 = tpu.sem_alloc : memref<!tpu.dma_semaphore, #tpu.memory_space<semaphore_mem>>
      %dma_start3A = tpu.memref_slice %arg11[%mul3A_2] : memref<10240xf32, #tpu.memory_space<vmem_shared>> -> memref<640xf32, #tpu.memory_space<vmem_shared>>
      tpu.enqueue_dma source(%arg5 : memref<640xf32, #tpu.memory_space<hbm>>) target(%dma_start3A : memref<640xf32, #tpu.memory_space<vmem_shared>>) target_semaphore(%run_scoped3A_16 : memref<!tpu.dma_semaphore, #tpu.memory_space<semaphore_mem>>)
      %dma_wait3A = tpu.memref_slice %arg11[%mul3A_2] : memref<10240xf32, #tpu.memory_space<vmem_shared>> -> memref<640xf32, #tpu.memory_space<vmem_shared>>
      tpu.wait_dma2 semaphore(%run_scoped3A_16 : memref<!tpu.dma_semaphore, #tpu.memory_space<semaphore_mem>>) src(%arg5 : memref<640xf32, #tpu.memory_space<hbm>>) dst(%dma_wait3A : memref<640xf32, #tpu.memory_space<vmem_shared>>)
      tpu.yield
    }) : () -> ()
    "tpu.region"() ({
      %run_scoped3A_16 = tpu.sem_alloc : memref<!tpu.dma_semaphore, #tpu.memory_space<semaphore_mem>>
      %dma_start3A = arith.constant 0 : i32
      %dma_start3A_17 = arith.constant 0 : i32
      %dma_start3A_18 = tpu.memref_slice %arg2[%add3A, %dma_start3A, %dma_start3A_17] : memref<32x125x80xi32, #tpu.memory_space<hbm>> -> memref<1x125x80xi32, #tpu.memory_space<hbm>>
      %dma_start3A_19 = tpu.memref_squeeze %dma_start3A_18 : memref<1x125x80xi32, #tpu.memory_space<hbm>> -> memref<125x80xi32, #tpu.memory_space<hbm>>
      %dma_start3A_20 = arith.constant 0 : i32
      %dma_start3A_21 = arith.constant 0 : i32
      %dma_start3A_22 = tpu.memref_slice %arg2[%add3A, %dma_start3A_20, %dma_start3A_21] : memref<32x125x80xi32, #tpu.memory_space<hbm>> -> memref<1x125x80xi32, #tpu.memory_space<hbm>>
      %dma_start3A_23 = tpu.memref_squeeze %dma_start3A_22 : memref<1x125x80xi32, #tpu.memory_space<hbm>> -> memref<125x80xi32, #tpu.memory_space<hbm>>
      tpu.enqueue_dma source(%dma_start3A_23 : memref<125x80xi32, #tpu.memory_space<hbm>>) target(%arg7 : memref<125x80xi32, #tpu.memory_space<vmem>>) target_semaphore(%run_scoped3A_16 : memref<!tpu.dma_semaphore, #tpu.memory_space<semaphore_mem>>)
      %dma_wait3A = arith.constant 0 : i32
      %dma_wait3A_24 = arith.constant 0 : i32
      %dma_wait3A_25 = tpu.memref_slice %arg2[%add3A, %dma_wait3A, %dma_wait3A_24] : memref<32x125x80xi32, #tpu.memory_space<hbm>> -> memref<1x125x80xi32, #tpu.memory_space<hbm>>
      %dma_wait3A_26 = tpu.memref_squeeze %dma_wait3A_25 : memref<1x125x80xi32, #tpu.memory_space<hbm>> -> memref<125x80xi32, #tpu.memory_space<hbm>>
      %dma_wait3A_27 = arith.constant 0 : i32
      %dma_wait3A_28 = arith.constant 0 : i32
      %dma_wait3A_29 = tpu.memref_slice %arg2[%add3A, %dma_wait3A_27, %dma_wait3A_28] : memref<32x125x80xi32, #tpu.memory_space<hbm>> -> memref<1x125x80xi32, #tpu.memory_space<hbm>>
      %dma_wait3A_30 = tpu.memref_squeeze %dma_wait3A_29 : memref<1x125x80xi32, #tpu.memory_space<hbm>> -> memref<125x80xi32, #tpu.memory_space<hbm>>
      tpu.wait_dma2 semaphore(%run_scoped3A_16 : memref<!tpu.dma_semaphore, #tpu.memory_space<semaphore_mem>>) src(%dma_wait3A_30 : memref<125x80xi32, #tpu.memory_space<hbm>>) dst(%arg7 : memref<125x80xi32, #tpu.memory_space<vmem>>)
      tpu.yield
    }) : () -> ()
    "tpu.region"() ({
      %run_scoped3A_16 = tpu.sem_alloc : memref<!tpu.dma_semaphore, #tpu.memory_space<semaphore_mem>>
      %dma_start3A = arith.constant 0 : i32
      %dma_start3A_17 = arith.constant 0 : i32
      %dma_start3A_18 = tpu.memref_slice %arg3[%add3A, %dma_start3A, %dma_start3A_17] : memref<32x125x80xi32, #tpu.memory_space<hbm>> -> memref<1x125x80xi32, #tpu.memory_space<hbm>>
      %dma_start3A_19 = tpu.memref_squeeze %dma_start3A_18 : memref<1x125x80xi32, #tpu.memory_space<hbm>> -> memref<125x80xi32, #tpu.memory_space<hbm>>
      %dma_start3A_20 = arith.constant 0 : i32
      %dma_start3A_21 = arith.constant 0 : i32
      %dma_start3A_22 = tpu.memref_slice %arg3[%add3A, %dma_start3A_20, %dma_start3A_21] : memref<32x125x80xi32, #tpu.memory_space<hbm>> -> memref<1x125x80xi32, #tpu.memory_space<hbm>>
      %dma_start3A_23 = tpu.memref_squeeze %dma_start3A_22 : memref<1x125x80xi32, #tpu.memory_space<hbm>> -> memref<125x80xi32, #tpu.memory_space<hbm>>
      tpu.enqueue_dma source(%dma_start3A_23 : memref<125x80xi32, #tpu.memory_space<hbm>>) target(%arg8 : memref<125x80xi32, #tpu.memory_space<vmem>>) target_semaphore(%run_scoped3A_16 : memref<!tpu.dma_semaphore, #tpu.memory_space<semaphore_mem>>)
      %dma_wait3A = arith.constant 0 : i32
      %dma_wait3A_24 = arith.constant 0 : i32
      %dma_wait3A_25 = tpu.memref_slice %arg3[%add3A, %dma_wait3A, %dma_wait3A_24] : memref<32x125x80xi32, #tpu.memory_space<hbm>> -> memref<1x125x80xi32, #tpu.memory_space<hbm>>
      %dma_wait3A_26 = tpu.memref_squeeze %dma_wait3A_25 : memref<1x125x80xi32, #tpu.memory_space<hbm>> -> memref<125x80xi32, #tpu.memory_space<hbm>>
      %dma_wait3A_27 = arith.constant 0 : i32
      %dma_wait3A_28 = arith.constant 0 : i32
      %dma_wait3A_29 = tpu.memref_slice %arg3[%add3A, %dma_wait3A_27, %dma_wait3A_28] : memref<32x125x80xi32, #tpu.memory_space<hbm>> -> memref<1x125x80xi32, #tpu.memory_space<hbm>>
      %dma_wait3A_30 = tpu.memref_squeeze %dma_wait3A_29 : memref<1x125x80xi32, #tpu.memory_space<hbm>> -> memref<125x80xi32, #tpu.memory_space<hbm>>
      tpu.wait_dma2 semaphore(%run_scoped3A_16 : memref<!tpu.dma_semaphore, #tpu.memory_space<semaphore_mem>>) src(%dma_wait3A_30 : memref<125x80xi32, #tpu.memory_space<hbm>>) dst(%arg8 : memref<125x80xi32, #tpu.memory_space<vmem>>)
      tpu.yield
    }) : () -> ()
    "tpu.region"() ({
      %run_scoped3A_16 = tpu.sem_alloc : memref<!tpu.dma_semaphore, #tpu.memory_space<semaphore_mem>>
      tpu.enqueue_dma source(%arg4 : memref<80xf32, #tpu.memory_space<hbm>>) target(%arg9 : memref<80xf32, #tpu.memory_space<vmem>>) target_semaphore(%run_scoped3A_16 : memref<!tpu.dma_semaphore, #tpu.memory_space<semaphore_mem>>)
      tpu.wait_dma2 semaphore(%run_scoped3A_16 : memref<!tpu.dma_semaphore, #tpu.memory_space<semaphore_mem>>) src(%arg4 : memref<80xf32, #tpu.memory_space<hbm>>) dst(%arg9 : memref<80xf32, #tpu.memory_space<vmem>>)
      tpu.yield
    }) : () -> ()
    %barrier3A = arith.constant 0 : index
    tpu.barrier barrier_id(%barrier3A)
    %scan3A = arith.constant 0 : i32
    %scan3A_3 = arith.constant 0 : i32
    %scan3A_4 = arith.constant 125 : i32
    %scan3A_5 = arith.addi %scan3A_3, %scan3A_4 : i32
    %scan3A_6 = arith.constant 1 : i32
    scf.for %scan3A_16 = %scan3A_3 to %scan3A_5 step %scan3A_6  : i32 {
      %dma_start3A = arith.constant 0 : i32
      %dma_start3A_17 = arith.constant 0 : i32
      %dma_start3A_18 = tpu.memref_slice %arg7[%scan3A_16, %dma_start3A_17] : memref<125x80xi32, #tpu.memory_space<vmem>> -> memref<1x80xi32, #tpu.memory_space<vmem>>
      %dma_start3A_19 = tpu.memref_squeeze %dma_start3A_18 : memref<1x80xi32, #tpu.memory_space<vmem>> -> memref<80xi32, #tpu.memory_space<vmem>>
      %dma_start3A_20 = arith.constant 0 : i32
      %dma_start3A_21 = tpu.memref_slice %arg10[%dma_start3A_20] : memref<10240xf32, #tpu.memory_space<vmem_shared>> -> memref<10240xf32, #tpu.memory_space<vmem_shared>>
      %dma_start3A_22 = tpu.memref_slice %arg12[%dma_start3A] : memref<2x!tpu.dma_semaphore, #tpu.memory_space<semaphore_mem>> -> memref<1x!tpu.dma_semaphore, #tpu.memory_space<semaphore_mem>>
      %dma_start3A_23 = tpu.memref_squeeze %dma_start3A_22 : memref<1x!tpu.dma_semaphore, #tpu.memory_space<semaphore_mem>> -> memref<!tpu.dma_semaphore, #tpu.memory_space<semaphore_mem>>
      tpu.enqueue_indirect_dma source(%arg9 : memref<80xf32, #tpu.memory_space<vmem>>) target(%dma_start3A_21 : memref<10240xf32, #tpu.memory_space<vmem_shared>>) offsets(%dma_start3A_19 : memref<80xi32, #tpu.memory_space<vmem>>) semaphore(%dma_start3A_23 : memref<!tpu.dma_semaphore, #tpu.memory_space<semaphore_mem>>) {add = true}
      %dma_start3A_24 = arith.constant 1 : i32
      %dma_start3A_25 = arith.constant 0 : i32
      %dma_start3A_26 = tpu.memref_slice %arg8[%scan3A_16, %dma_start3A_25] : memref<125x80xi32, #tpu.memory_space<vmem>> -> memref<1x80xi32, #tpu.memory_space<vmem>>
      %dma_start3A_27 = tpu.memref_squeeze %dma_start3A_26 : memref<1x80xi32, #tpu.memory_space<vmem>> -> memref<80xi32, #tpu.memory_space<vmem>>
      %dma_start3A_28 = arith.constant 0 : i32
      %dma_start3A_29 = tpu.memref_slice %arg11[%dma_start3A_28] : memref<10240xf32, #tpu.memory_space<vmem_shared>> -> memref<10240xf32, #tpu.memory_space<vmem_shared>>
      %dma_start3A_30 = tpu.memref_slice %arg12[%dma_start3A_24] : memref<2x!tpu.dma_semaphore, #tpu.memory_space<semaphore_mem>> -> memref<1x!tpu.dma_semaphore, #tpu.memory_space<semaphore_mem>>
      %dma_start3A_31 = tpu.memref_squeeze %dma_start3A_30 : memref<1x!tpu.dma_semaphore, #tpu.memory_space<semaphore_mem>> -> memref<!tpu.dma_semaphore, #tpu.memory_space<semaphore_mem>>
      tpu.enqueue_indirect_dma source(%arg9 : memref<80xf32, #tpu.memory_space<vmem>>) target(%dma_start3A_29 : memref<10240xf32, #tpu.memory_space<vmem_shared>>) offsets(%dma_start3A_27 : memref<80xi32, #tpu.memory_space<vmem>>) semaphore(%dma_start3A_31 : memref<!tpu.dma_semaphore, #tpu.memory_space<semaphore_mem>>) {add = true}
      %ge3A = arith.constant 4 : i32
      %ge3A_32 = arith.cmpi sge, %scan3A_16, %ge3A : i32
      %convert_element_type3A = arith.extui %ge3A_32 : i1 to i32
      %cond3A = arith.constant 0 : i32
      %cond3A_33 = arith.cmpi ne, %convert_element_type3A, %cond3A : i32
      scf.if %cond3A_33 {
        %dma_wait3A = arith.constant 0 : i32
        %dma_wait3A_34 = arith.constant 0 : i32
        %dma_wait3A_35 = arith.constant 0 : i32
        %dma_wait3A_36 = tpu.memref_slice %arg7[%dma_wait3A, %dma_wait3A_35] : memref<125x80xi32, #tpu.memory_space<vmem>> -> memref<1x80xi32, #tpu.memory_space<vmem>>
        %dma_wait3A_37 = tpu.memref_squeeze %dma_wait3A_36 : memref<1x80xi32, #tpu.memory_space<vmem>> -> memref<80xi32, #tpu.memory_space<vmem>>
        %dma_wait3A_38 = arith.constant 0 : i32
        %dma_wait3A_39 = tpu.memref_slice %arg10[%dma_wait3A_38] : memref<10240xf32, #tpu.memory_space<vmem_shared>> -> memref<10240xf32, #tpu.memory_space<vmem_shared>>
        %dma_wait3A_40 = tpu.memref_slice %arg12[%dma_wait3A_34] : memref<2x!tpu.dma_semaphore, #tpu.memory_space<semaphore_mem>> -> memref<1x!tpu.dma_semaphore, #tpu.memory_space<semaphore_mem>>
        %dma_wait3A_41 = tpu.memref_squeeze %dma_wait3A_40 : memref<1x!tpu.dma_semaphore, #tpu.memory_space<semaphore_mem>> -> memref<!tpu.dma_semaphore, #tpu.memory_space<semaphore_mem>>
        tpu.wait_indirect_dma semaphore(%dma_wait3A_41 : memref<!tpu.dma_semaphore, #tpu.memory_space<semaphore_mem>>) src(%arg9 : memref<80xf32, #tpu.memory_space<vmem>>) dst(%dma_wait3A_39 : memref<10240xf32, #tpu.memory_space<vmem_shared>>)
        %dma_wait3A_42 = arith.constant 0 : i32
        %dma_wait3A_43 = arith.constant 1 : i32
        %dma_wait3A_44 = arith.constant 0 : i32
        %dma_wait3A_45 = tpu.memref_slice %arg8[%dma_wait3A_42, %dma_wait3A_44] : memref<125x80xi32, #tpu.memory_space<vmem>> -> memref<1x80xi32, #tpu.memory_space<vmem>>
        %dma_wait3A_46 = tpu.memref_squeeze %dma_wait3A_45 : memref<1x80xi32, #tpu.memory_space<vmem>> -> memref<80xi32, #tpu.memory_space<vmem>>
        %dma_wait3A_47 = arith.constant 0 : i32
        %dma_wait3A_48 = tpu.memref_slice %arg11[%dma_wait3A_47] : memref<10240xf32, #tpu.memory_space<vmem_shared>> -> memref<10240xf32, #tpu.memory_space<vmem_shared>>
        %dma_wait3A_49 = tpu.memref_slice %arg12[%dma_wait3A_43] : memref<2x!tpu.dma_semaphore, #tpu.memory_space<semaphore_mem>> -> memref<1x!tpu.dma_semaphore, #tpu.memory_space<semaphore_mem>>
        %dma_wait3A_50 = tpu.memref_squeeze %dma_wait3A_49 : memref<1x!tpu.dma_semaphore, #tpu.memory_space<semaphore_mem>> -> memref<!tpu.dma_semaphore, #tpu.memory_space<semaphore_mem>>
        tpu.wait_indirect_dma semaphore(%dma_wait3A_50 : memref<!tpu.dma_semaphore, #tpu.memory_space<semaphore_mem>>) src(%arg9 : memref<80xf32, #tpu.memory_space<vmem>>) dst(%dma_wait3A_48 : memref<10240xf32, #tpu.memory_space<vmem_shared>>)
      } else {
      }
    }
    %scan3A_7 = arith.constant 125 : i32
    %scan3A_8 = arith.constant 0 : i32
    %scan3A_9 = arith.constant 0 : i32
    %scan3A_10 = arith.constant 4 : i32
    %scan3A_11 = arith.addi %scan3A_9, %scan3A_10 : i32
    %scan3A_12 = arith.constant 1 : i32
    scf.for %scan3A_16 = %scan3A_9 to %scan3A_11 step %scan3A_12  : i32 {
      %dma_wait3A = arith.constant 0 : i32
      %dma_wait3A_17 = arith.constant 0 : i32
      %dma_wait3A_18 = arith.constant 0 : i32
      %dma_wait3A_19 = tpu.memref_slice %arg7[%dma_wait3A, %dma_wait3A_18] : memref<125x80xi32, #tpu.memory_space<vmem>> -> memref<1x80xi32, #tpu.memory_space<vmem>>
      %dma_wait3A_20 = tpu.memref_squeeze %dma_wait3A_19 : memref<1x80xi32, #tpu.memory_space<vmem>> -> memref<80xi32, #tpu.memory_space<vmem>>
      %dma_wait3A_21 = arith.constant 0 : i32
      %dma_wait3A_22 = tpu.memref_slice %arg10[%dma_wait3A_21] : memref<10240xf32, #tpu.memory_space<vmem_shared>> -> memref<10240xf32, #tpu.memory_space<vmem_shared>>
      %dma_wait3A_23 = tpu.memref_slice %arg12[%dma_wait3A_17] : memref<2x!tpu.dma_semaphore, #tpu.memory_space<semaphore_mem>> -> memref<1x!tpu.dma_semaphore, #tpu.memory_space<semaphore_mem>>
      %dma_wait3A_24 = tpu.memref_squeeze %dma_wait3A_23 : memref<1x!tpu.dma_semaphore, #tpu.memory_space<semaphore_mem>> -> memref<!tpu.dma_semaphore, #tpu.memory_space<semaphore_mem>>
      tpu.wait_indirect_dma semaphore(%dma_wait3A_24 : memref<!tpu.dma_semaphore, #tpu.memory_space<semaphore_mem>>) src(%arg9 : memref<80xf32, #tpu.memory_space<vmem>>) dst(%dma_wait3A_22 : memref<10240xf32, #tpu.memory_space<vmem_shared>>)
      %dma_wait3A_25 = arith.constant 0 : i32
      %dma_wait3A_26 = arith.constant 1 : i32
      %dma_wait3A_27 = arith.constant 0 : i32
      %dma_wait3A_28 = tpu.memref_slice %arg8[%dma_wait3A_25, %dma_wait3A_27] : memref<125x80xi32, #tpu.memory_space<vmem>> -> memref<1x80xi32, #tpu.memory_space<vmem>>
      %dma_wait3A_29 = tpu.memref_squeeze %dma_wait3A_28 : memref<1x80xi32, #tpu.memory_space<vmem>> -> memref<80xi32, #tpu.memory_space<vmem>>
      %dma_wait3A_30 = arith.constant 0 : i32
      %dma_wait3A_31 = tpu.memref_slice %arg11[%dma_wait3A_30] : memref<10240xf32, #tpu.memory_space<vmem_shared>> -> memref<10240xf32, #tpu.memory_space<vmem_shared>>
      %dma_wait3A_32 = tpu.memref_slice %arg12[%dma_wait3A_26] : memref<2x!tpu.dma_semaphore, #tpu.memory_space<semaphore_mem>> -> memref<1x!tpu.dma_semaphore, #tpu.memory_space<semaphore_mem>>
      %dma_wait3A_33 = tpu.memref_squeeze %dma_wait3A_32 : memref<1x!tpu.dma_semaphore, #tpu.memory_space<semaphore_mem>> -> memref<!tpu.dma_semaphore, #tpu.memory_space<semaphore_mem>>
      tpu.wait_indirect_dma semaphore(%dma_wait3A_33 : memref<!tpu.dma_semaphore, #tpu.memory_space<semaphore_mem>>) src(%arg9 : memref<80xf32, #tpu.memory_space<vmem>>) dst(%dma_wait3A_31 : memref<10240xf32, #tpu.memory_space<vmem_shared>>)
    }
    %scan3A_13 = arith.constant 4 : i32
    %barrier3A_14 = arith.constant 0 : index
    tpu.barrier barrier_id(%barrier3A_14)
    %run_scoped3A = arith.constant 0 : i32
    "tpu.region"() ({
      %run_scoped3A_16 = tpu.sem_alloc : memref<!tpu.dma_semaphore, #tpu.memory_space<semaphore_mem>>
      %dma_start3A = tpu.memref_slice %arg6[%arg0, %run_scoped3A, %mul3A_2] : memref<2x2x10240xf32, #tpu.memory_space<hbm>> -> memref<1x1x640xf32, #tpu.memory_space<hbm>>
      %dma_start3A_17 = tpu.memref_squeeze %dma_start3A : memref<1x1x640xf32, #tpu.memory_space<hbm>> -> memref<640xf32, #tpu.memory_space<hbm>>
      %dma_start3A_18 = tpu.memref_slice %arg10[%mul3A_2] : memref<10240xf32, #tpu.memory_space<vmem_shared>> -> memref<640xf32, #tpu.memory_space<vmem_shared>>
      tpu.enqueue_dma source(%dma_start3A_18 : memref<640xf32, #tpu.memory_space<vmem_shared>>) target(%dma_start3A_17 : memref<640xf32, #tpu.memory_space<hbm>>) target_semaphore(%run_scoped3A_16 : memref<!tpu.dma_semaphore, #tpu.memory_space<semaphore_mem>>)
      %dma_wait3A = tpu.memref_slice %arg6[%arg0, %run_scoped3A, %mul3A_2] : memref<2x2x10240xf32, #tpu.memory_space<hbm>> -> memref<1x1x640xf32, #tpu.memory_space<hbm>>
      %dma_wait3A_19 = tpu.memref_squeeze %dma_wait3A : memref<1x1x640xf32, #tpu.memory_space<hbm>> -> memref<640xf32, #tpu.memory_space<hbm>>
      %dma_wait3A_20 = tpu.memref_slice %arg10[%mul3A_2] : memref<10240xf32, #tpu.memory_space<vmem_shared>> -> memref<640xf32, #tpu.memory_space<vmem_shared>>
      tpu.wait_dma2 semaphore(%run_scoped3A_16 : memref<!tpu.dma_semaphore, #tpu.memory_space<semaphore_mem>>) src(%dma_wait3A_20 : memref<640xf32, #tpu.memory_space<vmem_shared>>) dst(%dma_wait3A_19 : memref<640xf32, #tpu.memory_space<hbm>>)
      tpu.yield
    }) : () -> ()
    %run_scoped3A_15 = arith.constant 1 : i32
    "tpu.region"() ({
      %run_scoped3A_16 = tpu.sem_alloc : memref<!tpu.dma_semaphore, #tpu.memory_space<semaphore_mem>>
      %dma_start3A = tpu.memref_slice %arg6[%arg0, %run_scoped3A_15, %mul3A_2] : memref<2x2x10240xf32, #tpu.memory_space<hbm>> -> memref<1x1x640xf32, #tpu.memory_space<hbm>>
      %dma_start3A_17 = tpu.memref_squeeze %dma_start3A : memref<1x1x640xf32, #tpu.memory_space<hbm>> -> memref<640xf32, #tpu.memory_space<hbm>>
      %dma_start3A_18 = tpu.memref_slice %arg11[%mul3A_2] : memref<10240xf32, #tpu.memory_space<vmem_shared>> -> memref<640xf32, #tpu.memory_space<vmem_shared>>
      tpu.enqueue_dma source(%dma_start3A_18 : memref<640xf32, #tpu.memory_space<vmem_shared>>) target(%dma_start3A_17 : memref<640xf32, #tpu.memory_space<hbm>>) target_semaphore(%run_scoped3A_16 : memref<!tpu.dma_semaphore, #tpu.memory_space<semaphore_mem>>)
      %dma_wait3A = tpu.memref_slice %arg6[%arg0, %run_scoped3A_15, %mul3A_2] : memref<2x2x10240xf32, #tpu.memory_space<hbm>> -> memref<1x1x640xf32, #tpu.memory_space<hbm>>
      %dma_wait3A_19 = tpu.memref_squeeze %dma_wait3A : memref<1x1x640xf32, #tpu.memory_space<hbm>> -> memref<640xf32, #tpu.memory_space<hbm>>
      %dma_wait3A_20 = tpu.memref_slice %arg11[%mul3A_2] : memref<10240xf32, #tpu.memory_space<vmem_shared>> -> memref<640xf32, #tpu.memory_space<vmem_shared>>
      tpu.wait_dma2 semaphore(%run_scoped3A_16 : memref<!tpu.dma_semaphore, #tpu.memory_space<semaphore_mem>>) src(%dma_wait3A_20 : memref<640xf32, #tpu.memory_space<vmem_shared>>) dst(%dma_wait3A_19 : memref<640xf32, #tpu.memory_space<hbm>>)
      tpu.yield
    }) : () -> ()
    return
  }
}

#map = affine_map<(d0, d1) -> (0, 0, 0, 0)>
#map1 = affine_map<(d0, d1) -> (0, 0)>
#map2 = affine_map<(d0, d1) -> (0, 0, 0)>
module attributes {stable_mosaic.version = 14 : i64} {
  func.func @_sc_scatter_rows(%arg0: i32, %arg1: i32, %arg2: memref<32x5x25x80xi32, #tpu.memory_space<hbm>>, %arg3: memref<32x5x25x80xi32, #tpu.memory_space<hbm>>, %arg4: memref<10000x128xf32, #tpu.memory_space<hbm>>, %arg5: memref<160x128xf32, #tpu.memory_space<hbm>>, %arg6: memref<2x10240x128xf32, #tpu.memory_space<hbm>>, %arg7: memref<2x25x80xi32, #tpu.memory_space<vmem>>, %arg8: memref<2x25x80xi32, #tpu.memory_space<vmem>>, %arg9: memref<3x80x128xf32, #tpu.memory_space<vmem>>, %arg10: memref<10240x128xf32, #tpu.memory_space<vmem_shared>>, %arg11: memref<3x!tpu.dma_semaphore, #tpu.memory_space<semaphore_mem>>, %arg12: memref<!tpu.dma_semaphore, #tpu.memory_space<semaphore_mem>>) attributes {dimension_semantics = [#tpu.dimension_semantics<core_parallel>, #tpu.dimension_semantics<subcore_parallel>], iteration_bounds = array<i64: 2, 16>, scalar_prefetch = 0 : i64, scratch_operands = 6 : i64, tpu.core_type = #tpu.core_type<sc_vector_subcore>, window_params = [{transform_indices = #map}, {transform_indices = #map}, {transform_indices = #map1}, {transform_indices = #map1}, {transform_indices = #map2}]} {
    %mul3A = arith.constant 2 : i32
    %mul3A_0 = arith.muli %arg1, %mul3A : i32
    %add3A = arith.addi %mul3A_0, %arg0 : i32
    %mul3A_1 = arith.constant 640 : i32
    %mul3A_2 = arith.muli %arg1, %mul3A_1 : i32
    %scan3A = arith.constant 0 : i32
    %scan3A_3 = arith.constant 0 : i32
    %scan3A_4 = arith.constant 4 : i32
    %scan3A_5 = arith.addi %scan3A_3, %scan3A_4 : i32
    %scan3A_6 = arith.constant 1 : i32
    scf.for %scan3A_70 = %scan3A_3 to %scan3A_5 step %scan3A_6  : i32 {
      %mul3A_71 = arith.constant 160 : i32
      %mul3A_72 = arith.muli %scan3A_70, %mul3A_71 : i32
      %add3A_73 = arith.addi %mul3A_2, %mul3A_72 : i32
      %dma_start3A_74 = arith.constant 0 : i32
      %dma_start3A_75 = tpu.memref_slice %arg10[%add3A_73, %dma_start3A_74] : memref<10240x128xf32, #tpu.memory_space<vmem_shared>> -> memref<160x128xf32, #tpu.memory_space<vmem_shared>>
      tpu.enqueue_dma source(%arg5 : memref<160x128xf32, #tpu.memory_space<hbm>>) target(%dma_start3A_75 : memref<160x128xf32, #tpu.memory_space<vmem_shared>>) target_semaphore(%arg12 : memref<!tpu.dma_semaphore, #tpu.memory_space<semaphore_mem>>)
    }
    %scan3A_7 = arith.constant 4 : i32
    %run_scoped3A = arith.constant 0 : i32
    %run_scoped3A_8 = arith.constant 0 : i32
    "tpu.region"() ({
      %run_scoped3A_70 = tpu.sem_alloc : memref<!tpu.dma_semaphore, #tpu.memory_space<semaphore_mem>>
      %dma_start3A_71 = arith.constant 0 : i32
      %dma_start3A_72 = arith.constant 0 : i32
      %dma_start3A_73 = tpu.memref_slice %arg7[%run_scoped3A_8, %dma_start3A_71, %dma_start3A_72] : memref<2x25x80xi32, #tpu.memory_space<vmem>> -> memref<1x25x80xi32, #tpu.memory_space<vmem>>
      %dma_start3A_74 = tpu.memref_squeeze %dma_start3A_73 : memref<1x25x80xi32, #tpu.memory_space<vmem>> -> memref<25x80xi32, #tpu.memory_space<vmem>>
      %dma_start3A_75 = arith.constant 0 : i32
      %dma_start3A_76 = arith.constant 0 : i32
      %dma_start3A_77 = tpu.memref_slice %arg2[%add3A, %run_scoped3A, %dma_start3A_75, %dma_start3A_76] : memref<32x5x25x80xi32, #tpu.memory_space<hbm>> -> memref<1x1x25x80xi32, #tpu.memory_space<hbm>>
      %dma_start3A_78 = tpu.memref_squeeze %dma_start3A_77 : memref<1x1x25x80xi32, #tpu.memory_space<hbm>> -> memref<25x80xi32, #tpu.memory_space<hbm>>
      %dma_start3A_79 = arith.constant 0 : i32
      %dma_start3A_80 = arith.constant 0 : i32
      %dma_start3A_81 = tpu.memref_slice %arg7[%run_scoped3A_8, %dma_start3A_79, %dma_start3A_80] : memref<2x25x80xi32, #tpu.memory_space<vmem>> -> memref<1x25x80xi32, #tpu.memory_space<vmem>>
      %dma_start3A_82 = tpu.memref_squeeze %dma_start3A_81 : memref<1x25x80xi32, #tpu.memory_space<vmem>> -> memref<25x80xi32, #tpu.memory_space<vmem>>
      %dma_start3A_83 = arith.constant 0 : i32
      %dma_start3A_84 = arith.constant 0 : i32
      %dma_start3A_85 = tpu.memref_slice %arg2[%add3A, %run_scoped3A, %dma_start3A_83, %dma_start3A_84] : memref<32x5x25x80xi32, #tpu.memory_space<hbm>> -> memref<1x1x25x80xi32, #tpu.memory_space<hbm>>
      %dma_start3A_86 = tpu.memref_squeeze %dma_start3A_85 : memref<1x1x25x80xi32, #tpu.memory_space<hbm>> -> memref<25x80xi32, #tpu.memory_space<hbm>>
      tpu.enqueue_dma source(%dma_start3A_86 : memref<25x80xi32, #tpu.memory_space<hbm>>) target(%dma_start3A_82 : memref<25x80xi32, #tpu.memory_space<vmem>>) target_semaphore(%run_scoped3A_70 : memref<!tpu.dma_semaphore, #tpu.memory_space<semaphore_mem>>)
      %dma_wait3A_87 = arith.constant 0 : i32
      %dma_wait3A_88 = arith.constant 0 : i32
      %dma_wait3A_89 = tpu.memref_slice %arg7[%run_scoped3A_8, %dma_wait3A_87, %dma_wait3A_88] : memref<2x25x80xi32, #tpu.memory_space<vmem>> -> memref<1x25x80xi32, #tpu.memory_space<vmem>>
      %dma_wait3A_90 = tpu.memref_squeeze %dma_wait3A_89 : memref<1x25x80xi32, #tpu.memory_space<vmem>> -> memref<25x80xi32, #tpu.memory_space<vmem>>
      %dma_wait3A_91 = arith.constant 0 : i32
      %dma_wait3A_92 = arith.constant 0 : i32
      %dma_wait3A_93 = tpu.memref_slice %arg2[%add3A, %run_scoped3A, %dma_wait3A_91, %dma_wait3A_92] : memref<32x5x25x80xi32, #tpu.memory_space<hbm>> -> memref<1x1x25x80xi32, #tpu.memory_space<hbm>>
      %dma_wait3A_94 = tpu.memref_squeeze %dma_wait3A_93 : memref<1x1x25x80xi32, #tpu.memory_space<hbm>> -> memref<25x80xi32, #tpu.memory_space<hbm>>
      %dma_wait3A_95 = arith.constant 0 : i32
      %dma_wait3A_96 = arith.constant 0 : i32
      %dma_wait3A_97 = tpu.memref_slice %arg7[%run_scoped3A_8, %dma_wait3A_95, %dma_wait3A_96] : memref<2x25x80xi32, #tpu.memory_space<vmem>> -> memref<1x25x80xi32, #tpu.memory_space<vmem>>
      %dma_wait3A_98 = tpu.memref_squeeze %dma_wait3A_97 : memref<1x25x80xi32, #tpu.memory_space<vmem>> -> memref<25x80xi32, #tpu.memory_space<vmem>>
      %dma_wait3A_99 = arith.constant 0 : i32
      %dma_wait3A_100 = arith.constant 0 : i32
      %dma_wait3A_101 = tpu.memref_slice %arg2[%add3A, %run_scoped3A, %dma_wait3A_99, %dma_wait3A_100] : memref<32x5x25x80xi32, #tpu.memory_space<hbm>> -> memref<1x1x25x80xi32, #tpu.memory_space<hbm>>
      %dma_wait3A_102 = tpu.memref_squeeze %dma_wait3A_101 : memref<1x1x25x80xi32, #tpu.memory_space<hbm>> -> memref<25x80xi32, #tpu.memory_space<hbm>>
      tpu.wait_dma2 semaphore(%run_scoped3A_70 : memref<!tpu.dma_semaphore, #tpu.memory_space<semaphore_mem>>) src(%dma_wait3A_102 : memref<25x80xi32, #tpu.memory_space<hbm>>) dst(%dma_wait3A_98 : memref<25x80xi32, #tpu.memory_space<vmem>>)
      tpu.yield
    }) : () -> ()
    %run_scoped3A_9 = arith.constant 0 : i32
    %run_scoped3A_10 = arith.constant 0 : i32
    "tpu.region"() ({
      %run_scoped3A_70 = tpu.sem_alloc : memref<!tpu.dma_semaphore, #tpu.memory_space<semaphore_mem>>
      %dma_start3A_71 = arith.constant 0 : i32
      %dma_start3A_72 = arith.constant 0 : i32
      %dma_start3A_73 = tpu.memref_slice %arg8[%run_scoped3A_10, %dma_start3A_71, %dma_start3A_72] : memref<2x25x80xi32, #tpu.memory_space<vmem>> -> memref<1x25x80xi32, #tpu.memory_space<vmem>>
      %dma_start3A_74 = tpu.memref_squeeze %dma_start3A_73 : memref<1x25x80xi32, #tpu.memory_space<vmem>> -> memref<25x80xi32, #tpu.memory_space<vmem>>
      %dma_start3A_75 = arith.constant 0 : i32
      %dma_start3A_76 = arith.constant 0 : i32
      %dma_start3A_77 = tpu.memref_slice %arg3[%add3A, %run_scoped3A_9, %dma_start3A_75, %dma_start3A_76] : memref<32x5x25x80xi32, #tpu.memory_space<hbm>> -> memref<1x1x25x80xi32, #tpu.memory_space<hbm>>
      %dma_start3A_78 = tpu.memref_squeeze %dma_start3A_77 : memref<1x1x25x80xi32, #tpu.memory_space<hbm>> -> memref<25x80xi32, #tpu.memory_space<hbm>>
      %dma_start3A_79 = arith.constant 0 : i32
      %dma_start3A_80 = arith.constant 0 : i32
      %dma_start3A_81 = tpu.memref_slice %arg8[%run_scoped3A_10, %dma_start3A_79, %dma_start3A_80] : memref<2x25x80xi32, #tpu.memory_space<vmem>> -> memref<1x25x80xi32, #tpu.memory_space<vmem>>
      %dma_start3A_82 = tpu.memref_squeeze %dma_start3A_81 : memref<1x25x80xi32, #tpu.memory_space<vmem>> -> memref<25x80xi32, #tpu.memory_space<vmem>>
      %dma_start3A_83 = arith.constant 0 : i32
      %dma_start3A_84 = arith.constant 0 : i32
      %dma_start3A_85 = tpu.memref_slice %arg3[%add3A, %run_scoped3A_9, %dma_start3A_83, %dma_start3A_84] : memref<32x5x25x80xi32, #tpu.memory_space<hbm>> -> memref<1x1x25x80xi32, #tpu.memory_space<hbm>>
      %dma_start3A_86 = tpu.memref_squeeze %dma_start3A_85 : memref<1x1x25x80xi32, #tpu.memory_space<hbm>> -> memref<25x80xi32, #tpu.memory_space<hbm>>
      tpu.enqueue_dma source(%dma_start3A_86 : memref<25x80xi32, #tpu.memory_space<hbm>>) target(%dma_start3A_82 : memref<25x80xi32, #tpu.memory_space<vmem>>) target_semaphore(%run_scoped3A_70 : memref<!tpu.dma_semaphore, #tpu.memory_space<semaphore_mem>>)
      %dma_wait3A_87 = arith.constant 0 : i32
      %dma_wait3A_88 = arith.constant 0 : i32
      %dma_wait3A_89 = tpu.memref_slice %arg8[%run_scoped3A_10, %dma_wait3A_87, %dma_wait3A_88] : memref<2x25x80xi32, #tpu.memory_space<vmem>> -> memref<1x25x80xi32, #tpu.memory_space<vmem>>
      %dma_wait3A_90 = tpu.memref_squeeze %dma_wait3A_89 : memref<1x25x80xi32, #tpu.memory_space<vmem>> -> memref<25x80xi32, #tpu.memory_space<vmem>>
      %dma_wait3A_91 = arith.constant 0 : i32
      %dma_wait3A_92 = arith.constant 0 : i32
      %dma_wait3A_93 = tpu.memref_slice %arg3[%add3A, %run_scoped3A_9, %dma_wait3A_91, %dma_wait3A_92] : memref<32x5x25x80xi32, #tpu.memory_space<hbm>> -> memref<1x1x25x80xi32, #tpu.memory_space<hbm>>
      %dma_wait3A_94 = tpu.memref_squeeze %dma_wait3A_93 : memref<1x1x25x80xi32, #tpu.memory_space<hbm>> -> memref<25x80xi32, #tpu.memory_space<hbm>>
      %dma_wait3A_95 = arith.constant 0 : i32
      %dma_wait3A_96 = arith.constant 0 : i32
      %dma_wait3A_97 = tpu.memref_slice %arg8[%run_scoped3A_10, %dma_wait3A_95, %dma_wait3A_96] : memref<2x25x80xi32, #tpu.memory_space<vmem>> -> memref<1x25x80xi32, #tpu.memory_space<vmem>>
      %dma_wait3A_98 = tpu.memref_squeeze %dma_wait3A_97 : memref<1x25x80xi32, #tpu.memory_space<vmem>> -> memref<25x80xi32, #tpu.memory_space<vmem>>
      %dma_wait3A_99 = arith.constant 0 : i32
      %dma_wait3A_100 = arith.constant 0 : i32
      %dma_wait3A_101 = tpu.memref_slice %arg3[%add3A, %run_scoped3A_9, %dma_wait3A_99, %dma_wait3A_100] : memref<32x5x25x80xi32, #tpu.memory_space<hbm>> -> memref<1x1x25x80xi32, #tpu.memory_space<hbm>>
      %dma_wait3A_102 = tpu.memref_squeeze %dma_wait3A_101 : memref<1x1x25x80xi32, #tpu.memory_space<hbm>> -> memref<25x80xi32, #tpu.memory_space<hbm>>
      tpu.wait_dma2 semaphore(%run_scoped3A_70 : memref<!tpu.dma_semaphore, #tpu.memory_space<semaphore_mem>>) src(%dma_wait3A_102 : memref<25x80xi32, #tpu.memory_space<hbm>>) dst(%dma_wait3A_98 : memref<25x80xi32, #tpu.memory_space<vmem>>)
      tpu.yield
    }) : () -> ()
    %scan3A_11 = arith.constant 0 : i32
    %scan3A_12 = arith.constant 0 : i32
    %scan3A_13 = arith.constant 4 : i32
    %scan3A_14 = arith.addi %scan3A_12, %scan3A_13 : i32
    %scan3A_15 = arith.constant 1 : i32
    scf.for %scan3A_70 = %scan3A_12 to %scan3A_14 step %scan3A_15  : i32 {
      %mul3A_71 = arith.constant 160 : i32
      %mul3A_72 = arith.muli %scan3A_70, %mul3A_71 : i32
      %add3A_73 = arith.addi %mul3A_2, %mul3A_72 : i32
      %dma_wait3A_74 = arith.constant 0 : i32
      %dma_wait3A_75 = tpu.memref_slice %arg10[%add3A_73, %dma_wait3A_74] : memref<10240x128xf32, #tpu.memory_space<vmem_shared>> -> memref<160x128xf32, #tpu.memory_space<vmem_shared>>
      tpu.wait_dma2 semaphore(%arg12 : memref<!tpu.dma_semaphore, #tpu.memory_space<semaphore_mem>>) src(%arg5 : memref<160x128xf32, #tpu.memory_space<hbm>>) dst(%dma_wait3A_75 : memref<160x128xf32, #tpu.memory_space<vmem_shared>>)
    }
    %scan3A_16 = arith.constant 4 : i32
    %barrier3A = arith.constant 0 : index
    tpu.barrier barrier_id(%barrier3A)
    %dma_start3A = arith.constant 0 : i32
    %dma_start3A_17 = arith.constant 0 : i32
    %dma_start3A_18 = arith.constant 0 : i32
    %dma_start3A_19 = arith.constant 0 : i32
    %dma_start3A_20 = arith.constant 0 : i32
    %dma_start3A_21 = arith.constant 0 : i32
    %dma_start3A_22 = tpu.memref_slice %arg9[%dma_start3A_18, %dma_start3A_20, %dma_start3A_21] : memref<3x80x128xf32, #tpu.memory_space<vmem>> -> memref<1x80x128xf32, #tpu.memory_space<vmem>>
    %dma_start3A_23 = tpu.memref_squeeze %dma_start3A_22 : memref<1x80x128xf32, #tpu.memory_space<vmem>> -> memref<80x128xf32, #tpu.memory_space<vmem>>
    %dma_start3A_24 = arith.constant 0 : i32
    %dma_start3A_25 = tpu.memref_slice %arg7[%dma_start3A, %dma_start3A_17, %dma_start3A_24] : memref<2x25x80xi32, #tpu.memory_space<vmem>> -> memref<1x1x80xi32, #tpu.memory_space<vmem>>
    %dma_start3A_26 = tpu.memref_squeeze %dma_start3A_25 : memref<1x1x80xi32, #tpu.memory_space<vmem>> -> memref<80xi32, #tpu.memory_space<vmem>>
    %dma_start3A_27 = arith.constant 0 : i32
    %dma_start3A_28 = arith.constant 0 : i32
    %dma_start3A_29 = tpu.memref_slice %arg4[%dma_start3A_27, %dma_start3A_28] : memref<10000x128xf32, #tpu.memory_space<hbm>> -> memref<10000x128xf32, #tpu.memory_space<hbm>>
    %dma_start3A_30 = tpu.memref_slice %arg11[%dma_start3A_19] : memref<3x!tpu.dma_semaphore, #tpu.memory_space<semaphore_mem>> -> memref<1x!tpu.dma_semaphore, #tpu.memory_space<semaphore_mem>>
    %dma_start3A_31 = tpu.memref_squeeze %dma_start3A_30 : memref<1x!tpu.dma_semaphore, #tpu.memory_space<semaphore_mem>> -> memref<!tpu.dma_semaphore, #tpu.memory_space<semaphore_mem>>
    tpu.enqueue_indirect_dma source(%dma_start3A_29 : memref<10000x128xf32, #tpu.memory_space<hbm>>) target(%dma_start3A_23 : memref<80x128xf32, #tpu.memory_space<vmem>>) offsets(%dma_start3A_26 : memref<80xi32, #tpu.memory_space<vmem>>) semaphore(%dma_start3A_31 : memref<!tpu.dma_semaphore, #tpu.memory_space<semaphore_mem>>)
    %dma_start3A_32 = arith.constant 0 : i32
    %dma_start3A_33 = arith.constant 1 : i32
    %dma_start3A_34 = arith.constant 1 : i32
    %dma_start3A_35 = arith.constant 1 : i32
    %dma_start3A_36 = arith.constant 0 : i32
    %dma_start3A_37 = arith.constant 0 : i32
    %dma_start3A_38 = tpu.memref_slice %arg9[%dma_start3A_34, %dma_start3A_36, %dma_start3A_37] : memref<3x80x128xf32, #tpu.memory_space<vmem>> -> memref<1x80x128xf32, #tpu.memory_space<vmem>>
    %dma_start3A_39 = tpu.memref_squeeze %dma_start3A_38 : memref<1x80x128xf32, #tpu.memory_space<vmem>> -> memref<80x128xf32, #tpu.memory_space<vmem>>
    %dma_start3A_40 = arith.constant 0 : i32
    %dma_start3A_41 = tpu.memref_slice %arg7[%dma_start3A_32, %dma_start3A_33, %dma_start3A_40] : memref<2x25x80xi32, #tpu.memory_space<vmem>> -> memref<1x1x80xi32, #tpu.memory_space<vmem>>
    %dma_start3A_42 = tpu.memref_squeeze %dma_start3A_41 : memref<1x1x80xi32, #tpu.memory_space<vmem>> -> memref<80xi32, #tpu.memory_space<vmem>>
    %dma_start3A_43 = arith.constant 0 : i32
    %dma_start3A_44 = arith.constant 0 : i32
    %dma_start3A_45 = tpu.memref_slice %arg4[%dma_start3A_43, %dma_start3A_44] : memref<10000x128xf32, #tpu.memory_space<hbm>> -> memref<10000x128xf32, #tpu.memory_space<hbm>>
    %dma_start3A_46 = tpu.memref_slice %arg11[%dma_start3A_35] : memref<3x!tpu.dma_semaphore, #tpu.memory_space<semaphore_mem>> -> memref<1x!tpu.dma_semaphore, #tpu.memory_space<semaphore_mem>>
    %dma_start3A_47 = tpu.memref_squeeze %dma_start3A_46 : memref<1x!tpu.dma_semaphore, #tpu.memory_space<semaphore_mem>> -> memref<!tpu.dma_semaphore, #tpu.memory_space<semaphore_mem>>
    tpu.enqueue_indirect_dma source(%dma_start3A_45 : memref<10000x128xf32, #tpu.memory_space<hbm>>) target(%dma_start3A_39 : memref<80x128xf32, #tpu.memory_space<vmem>>) offsets(%dma_start3A_42 : memref<80xi32, #tpu.memory_space<vmem>>) semaphore(%dma_start3A_47 : memref<!tpu.dma_semaphore, #tpu.memory_space<semaphore_mem>>)
    %scan3A_48 = arith.constant 0 : i32
    %scan3A_49 = arith.constant 0 : i32
    %scan3A_50 = arith.constant 5 : i32
    %scan3A_51 = arith.addi %scan3A_49, %scan3A_50 : i32
    %scan3A_52 = arith.constant 1 : i32
    scf.for %scan3A_70 = %scan3A_49 to %scan3A_51 step %scan3A_52  : i32 {
      %rem3A = arith.constant 2 : i32
      %rem3A_71 = arith.remsi %scan3A_70, %rem3A : i32
      %scan3A_72 = arith.constant 0 : i32
      %scan3A_73 = arith.constant 0 : i32
      %scan3A_74 = arith.constant 25 : i32
      %scan3A_75 = arith.addi %scan3A_73, %scan3A_74 : i32
      %scan3A_76 = arith.constant 1 : i32
      scf.for %scan3A_78 = %scan3A_73 to %scan3A_75 step %scan3A_76  : i32 {
        %mul3A_79 = arith.constant 25 : i32
        %mul3A_80 = arith.muli %scan3A_70, %mul3A_79 : i32
        %add3A_81 = arith.addi %mul3A_80, %scan3A_78 : i32
        %rem3A_82 = arith.constant 3 : i32
        %rem3A_83 = arith.remsi %add3A_81, %rem3A_82 : i32
        %dma_wait3A_84 = arith.constant 0 : i32
        %dma_wait3A_85 = arith.constant 0 : i32
        %dma_wait3A_86 = tpu.memref_slice %arg9[%rem3A_83, %dma_wait3A_84, %dma_wait3A_85] : memref<3x80x128xf32, #tpu.memory_space<vmem>> -> memref<1x80x128xf32, #tpu.memory_space<vmem>>
        %dma_wait3A_87 = tpu.memref_squeeze %dma_wait3A_86 : memref<1x80x128xf32, #tpu.memory_space<vmem>> -> memref<80x128xf32, #tpu.memory_space<vmem>>
        %dma_wait3A_88 = arith.constant 0 : i32
        %dma_wait3A_89 = tpu.memref_slice %arg7[%rem3A_71, %scan3A_78, %dma_wait3A_88] : memref<2x25x80xi32, #tpu.memory_space<vmem>> -> memref<1x1x80xi32, #tpu.memory_space<vmem>>
        %dma_wait3A_90 = tpu.memref_squeeze %dma_wait3A_89 : memref<1x1x80xi32, #tpu.memory_space<vmem>> -> memref<80xi32, #tpu.memory_space<vmem>>
        %dma_wait3A_91 = arith.constant 0 : i32
        %dma_wait3A_92 = arith.constant 0 : i32
        %dma_wait3A_93 = tpu.memref_slice %arg4[%dma_wait3A_91, %dma_wait3A_92] : memref<10000x128xf32, #tpu.memory_space<hbm>> -> memref<10000x128xf32, #tpu.memory_space<hbm>>
        %dma_wait3A_94 = tpu.memref_slice %arg11[%rem3A_83] : memref<3x!tpu.dma_semaphore, #tpu.memory_space<semaphore_mem>> -> memref<1x!tpu.dma_semaphore, #tpu.memory_space<semaphore_mem>>
        %dma_wait3A_95 = tpu.memref_squeeze %dma_wait3A_94 : memref<1x!tpu.dma_semaphore, #tpu.memory_space<semaphore_mem>> -> memref<!tpu.dma_semaphore, #tpu.memory_space<semaphore_mem>>
        tpu.wait_indirect_dma semaphore(%dma_wait3A_95 : memref<!tpu.dma_semaphore, #tpu.memory_space<semaphore_mem>>) src(%dma_wait3A_93 : memref<10000x128xf32, #tpu.memory_space<hbm>>) dst(%dma_wait3A_87 : memref<80x128xf32, #tpu.memory_space<vmem>>)
        %dma_start3A_96 = arith.constant 0 : i32
        %dma_start3A_97 = arith.constant 0 : i32
        %dma_start3A_98 = tpu.memref_slice %arg9[%rem3A_83, %dma_start3A_96, %dma_start3A_97] : memref<3x80x128xf32, #tpu.memory_space<vmem>> -> memref<1x80x128xf32, #tpu.memory_space<vmem>>
        %dma_start3A_99 = tpu.memref_squeeze %dma_start3A_98 : memref<1x80x128xf32, #tpu.memory_space<vmem>> -> memref<80x128xf32, #tpu.memory_space<vmem>>
        %dma_start3A_100 = arith.constant 0 : i32
        %dma_start3A_101 = tpu.memref_slice %arg8[%rem3A_71, %scan3A_78, %dma_start3A_100] : memref<2x25x80xi32, #tpu.memory_space<vmem>> -> memref<1x1x80xi32, #tpu.memory_space<vmem>>
        %dma_start3A_102 = tpu.memref_squeeze %dma_start3A_101 : memref<1x1x80xi32, #tpu.memory_space<vmem>> -> memref<80xi32, #tpu.memory_space<vmem>>
        %dma_start3A_103 = arith.constant 0 : i32
        %dma_start3A_104 = arith.constant 0 : i32
        %dma_start3A_105 = tpu.memref_slice %arg10[%dma_start3A_103, %dma_start3A_104] : memref<10240x128xf32, #tpu.memory_space<vmem_shared>> -> memref<10240x128xf32, #tpu.memory_space<vmem_shared>>
        %dma_start3A_106 = tpu.memref_slice %arg11[%rem3A_83] : memref<3x!tpu.dma_semaphore, #tpu.memory_space<semaphore_mem>> -> memref<1x!tpu.dma_semaphore, #tpu.memory_space<semaphore_mem>>
        %dma_start3A_107 = tpu.memref_squeeze %dma_start3A_106 : memref<1x!tpu.dma_semaphore, #tpu.memory_space<semaphore_mem>> -> memref<!tpu.dma_semaphore, #tpu.memory_space<semaphore_mem>>
        tpu.enqueue_indirect_dma source(%dma_start3A_99 : memref<80x128xf32, #tpu.memory_space<vmem>>) target(%dma_start3A_105 : memref<10240x128xf32, #tpu.memory_space<vmem_shared>>) offsets(%dma_start3A_102 : memref<80xi32, #tpu.memory_space<vmem>>) semaphore(%dma_start3A_107 : memref<!tpu.dma_semaphore, #tpu.memory_space<semaphore_mem>>) {add = true}
        %ge3A = arith.constant 1 : i32
        %ge3A_108 = arith.cmpi sge, %add3A_81, %ge3A : i32
        %convert_element_type3A = arith.extui %ge3A_108 : i1 to i32
        %cond3A = arith.constant 0 : i32
        %cond3A_109 = arith.cmpi ne, %convert_element_type3A, %cond3A : i32
        scf.if %cond3A_109 {
          %add3A_134 = arith.constant 2 : i32
          %add3A_135 = arith.addi %add3A_81, %add3A_134 : i32
          %rem3A_136 = arith.constant 3 : i32
          %rem3A_137 = arith.remsi %add3A_135, %rem3A_136 : i32
          %dma_wait3A_138 = arith.constant 0 : i32
          %dma_wait3A_139 = arith.constant 0 : i32
          %dma_wait3A_140 = arith.constant 0 : i32
          %dma_wait3A_141 = tpu.memref_slice %arg9[%rem3A_137, %dma_wait3A_139, %dma_wait3A_140] : memref<3x80x128xf32, #tpu.memory_space<vmem>> -> memref<1x80x128xf32, #tpu.memory_space<vmem>>
          %dma_wait3A_142 = tpu.memref_squeeze %dma_wait3A_141 : memref<1x80x128xf32, #tpu.memory_space<vmem>> -> memref<80x128xf32, #tpu.memory_space<vmem>>
          %dma_wait3A_143 = arith.constant 0 : i32
          %dma_wait3A_144 = tpu.memref_slice %arg8[%rem3A_71, %dma_wait3A_138, %dma_wait3A_143] : memref<2x25x80xi32, #tpu.memory_space<vmem>> -> memref<1x1x80xi32, #tpu.memory_space<vmem>>
          %dma_wait3A_145 = tpu.memref_squeeze %dma_wait3A_144 : memref<1x1x80xi32, #tpu.memory_space<vmem>> -> memref<80xi32, #tpu.memory_space<vmem>>
          %dma_wait3A_146 = arith.constant 0 : i32
          %dma_wait3A_147 = arith.constant 0 : i32
          %dma_wait3A_148 = tpu.memref_slice %arg10[%dma_wait3A_146, %dma_wait3A_147] : memref<10240x128xf32, #tpu.memory_space<vmem_shared>> -> memref<10240x128xf32, #tpu.memory_space<vmem_shared>>
          %dma_wait3A_149 = tpu.memref_slice %arg11[%rem3A_137] : memref<3x!tpu.dma_semaphore, #tpu.memory_space<semaphore_mem>> -> memref<1x!tpu.dma_semaphore, #tpu.memory_space<semaphore_mem>>
          %dma_wait3A_150 = tpu.memref_squeeze %dma_wait3A_149 : memref<1x!tpu.dma_semaphore, #tpu.memory_space<semaphore_mem>> -> memref<!tpu.dma_semaphore, #tpu.memory_space<semaphore_mem>>
          tpu.wait_indirect_dma semaphore(%dma_wait3A_150 : memref<!tpu.dma_semaphore, #tpu.memory_space<semaphore_mem>>) src(%dma_wait3A_142 : memref<80x128xf32, #tpu.memory_space<vmem>>) dst(%dma_wait3A_148 : memref<10240x128xf32, #tpu.memory_space<vmem_shared>>)
        } else {
        }
        %eq3A = arith.constant 0 : i32
        %eq3A_110 = arith.cmpi eq, %scan3A_78, %eq3A : i32
        %add3A_111 = arith.constant 1 : i32
        %add3A_112 = arith.addi %scan3A_70, %add3A_111 : i32
        %lt3A = arith.constant 5 : i32
        %lt3A_113 = arith.cmpi slt, %add3A_112, %lt3A : i32
        %and3A = arith.andi %eq3A_110, %lt3A_113 : i1
        %convert_element_type3A_114 = arith.extui %and3A : i1 to i32
        %cond3A_115 = arith.constant 0 : i32
        %cond3A_116 = arith.cmpi ne, %convert_element_type3A_114, %cond3A_115 : i32
        scf.if %cond3A_116 {
          %add3A_134 = arith.constant 1 : i32
          %add3A_135 = arith.addi %scan3A_70, %add3A_134 : i32
          %sub3A = arith.constant 1 : i32
          %sub3A_136 = arith.subi %sub3A, %rem3A_71 : i32
          %dma_start3A_137 = arith.constant 0 : i32
          %dma_start3A_138 = arith.constant 0 : i32
          %dma_start3A_139 = tpu.memref_slice %arg7[%sub3A_136, %dma_start3A_137, %dma_start3A_138] : memref<2x25x80xi32, #tpu.memory_space<vmem>> -> memref<1x25x80xi32, #tpu.memory_space<vmem>>
          %dma_start3A_140 = tpu.memref_squeeze %dma_start3A_139 : memref<1x25x80xi32, #tpu.memory_space<vmem>> -> memref<25x80xi32, #tpu.memory_space<vmem>>
          %dma_start3A_141 = arith.constant 0 : i32
          %dma_start3A_142 = arith.constant 0 : i32
          %dma_start3A_143 = tpu.memref_slice %arg2[%add3A, %add3A_135, %dma_start3A_141, %dma_start3A_142] : memref<32x5x25x80xi32, #tpu.memory_space<hbm>> -> memref<1x1x25x80xi32, #tpu.memory_space<hbm>>
          %dma_start3A_144 = tpu.memref_squeeze %dma_start3A_143 : memref<1x1x25x80xi32, #tpu.memory_space<hbm>> -> memref<25x80xi32, #tpu.memory_space<hbm>>
          %dma_start3A_145 = arith.constant 0 : i32
          %dma_start3A_146 = arith.constant 0 : i32
          %dma_start3A_147 = tpu.memref_slice %arg7[%sub3A_136, %dma_start3A_145, %dma_start3A_146] : memref<2x25x80xi32, #tpu.memory_space<vmem>> -> memref<1x25x80xi32, #tpu.memory_space<vmem>>
          %dma_start3A_148 = tpu.memref_squeeze %dma_start3A_147 : memref<1x25x80xi32, #tpu.memory_space<vmem>> -> memref<25x80xi32, #tpu.memory_space<vmem>>
          %dma_start3A_149 = arith.constant 0 : i32
          %dma_start3A_150 = arith.constant 0 : i32
          %dma_start3A_151 = tpu.memref_slice %arg2[%add3A, %add3A_135, %dma_start3A_149, %dma_start3A_150] : memref<32x5x25x80xi32, #tpu.memory_space<hbm>> -> memref<1x1x25x80xi32, #tpu.memory_space<hbm>>
          %dma_start3A_152 = tpu.memref_squeeze %dma_start3A_151 : memref<1x1x25x80xi32, #tpu.memory_space<hbm>> -> memref<25x80xi32, #tpu.memory_space<hbm>>
          tpu.enqueue_dma source(%dma_start3A_152 : memref<25x80xi32, #tpu.memory_space<hbm>>) target(%dma_start3A_148 : memref<25x80xi32, #tpu.memory_space<vmem>>) target_semaphore(%arg12 : memref<!tpu.dma_semaphore, #tpu.memory_space<semaphore_mem>>)
          %add3A_153 = arith.constant 1 : i32
          %add3A_154 = arith.addi %scan3A_70, %add3A_153 : i32
          %sub3A_155 = arith.constant 1 : i32
          %sub3A_156 = arith.subi %sub3A_155, %rem3A_71 : i32
          %dma_start3A_157 = arith.constant 0 : i32
          %dma_start3A_158 = arith.constant 0 : i32
          %dma_start3A_159 = tpu.memref_slice %arg8[%sub3A_156, %dma_start3A_157, %dma_start3A_158] : memref<2x25x80xi32, #tpu.memory_space<vmem>> -> memref<1x25x80xi32, #tpu.memory_space<vmem>>
          %dma_start3A_160 = tpu.memref_squeeze %dma_start3A_159 : memref<1x25x80xi32, #tpu.memory_space<vmem>> -> memref<25x80xi32, #tpu.memory_space<vmem>>
          %dma_start3A_161 = arith.constant 0 : i32
          %dma_start3A_162 = arith.constant 0 : i32
          %dma_start3A_163 = tpu.memref_slice %arg3[%add3A, %add3A_154, %dma_start3A_161, %dma_start3A_162] : memref<32x5x25x80xi32, #tpu.memory_space<hbm>> -> memref<1x1x25x80xi32, #tpu.memory_space<hbm>>
          %dma_start3A_164 = tpu.memref_squeeze %dma_start3A_163 : memref<1x1x25x80xi32, #tpu.memory_space<hbm>> -> memref<25x80xi32, #tpu.memory_space<hbm>>
          %dma_start3A_165 = arith.constant 0 : i32
          %dma_start3A_166 = arith.constant 0 : i32
          %dma_start3A_167 = tpu.memref_slice %arg8[%sub3A_156, %dma_start3A_165, %dma_start3A_166] : memref<2x25x80xi32, #tpu.memory_space<vmem>> -> memref<1x25x80xi32, #tpu.memory_space<vmem>>
          %dma_start3A_168 = tpu.memref_squeeze %dma_start3A_167 : memref<1x25x80xi32, #tpu.memory_space<vmem>> -> memref<25x80xi32, #tpu.memory_space<vmem>>
          %dma_start3A_169 = arith.constant 0 : i32
          %dma_start3A_170 = arith.constant 0 : i32
          %dma_start3A_171 = tpu.memref_slice %arg3[%add3A, %add3A_154, %dma_start3A_169, %dma_start3A_170] : memref<32x5x25x80xi32, #tpu.memory_space<hbm>> -> memref<1x1x25x80xi32, #tpu.memory_space<hbm>>
          %dma_start3A_172 = tpu.memref_squeeze %dma_start3A_171 : memref<1x1x25x80xi32, #tpu.memory_space<hbm>> -> memref<25x80xi32, #tpu.memory_space<hbm>>
          tpu.enqueue_dma source(%dma_start3A_172 : memref<25x80xi32, #tpu.memory_space<hbm>>) target(%dma_start3A_168 : memref<25x80xi32, #tpu.memory_space<vmem>>) target_semaphore(%arg12 : memref<!tpu.dma_semaphore, #tpu.memory_space<semaphore_mem>>)
        } else {
        }
        %eq3A_117 = arith.constant 23 : i32
        %eq3A_118 = arith.cmpi eq, %scan3A_78, %eq3A_117 : i32
        %add3A_119 = arith.constant 1 : i32
        %add3A_120 = arith.addi %scan3A_70, %add3A_119 : i32
        %lt3A_121 = arith.constant 5 : i32
        %lt3A_122 = arith.cmpi slt, %add3A_120, %lt3A_121 : i32
        %and3A_123 = arith.andi %eq3A_118, %lt3A_122 : i1
        %convert_element_type3A_124 = arith.extui %and3A_123 : i1 to i32
        %cond3A_125 = arith.constant 0 : i32
        %cond3A_126 = arith.cmpi ne, %convert_element_type3A_124, %cond3A_125 : i32
        scf.if %cond3A_126 {
          %add3A_134 = arith.constant 1 : i32
          %add3A_135 = arith.addi %scan3A_70, %add3A_134 : i32
          %sub3A = arith.constant 1 : i32
          %sub3A_136 = arith.subi %sub3A, %rem3A_71 : i32
          %dma_wait3A_137 = arith.constant 0 : i32
          %dma_wait3A_138 = arith.constant 0 : i32
          %dma_wait3A_139 = tpu.memref_slice %arg7[%sub3A_136, %dma_wait3A_137, %dma_wait3A_138] : memref<2x25x80xi32, #tpu.memory_space<vmem>> -> memref<1x25x80xi32, #tpu.memory_space<vmem>>
          %dma_wait3A_140 = tpu.memref_squeeze %dma_wait3A_139 : memref<1x25x80xi32, #tpu.memory_space<vmem>> -> memref<25x80xi32, #tpu.memory_space<vmem>>
          %dma_wait3A_141 = arith.constant 0 : i32
          %dma_wait3A_142 = arith.constant 0 : i32
          %dma_wait3A_143 = tpu.memref_slice %arg2[%add3A, %add3A_135, %dma_wait3A_141, %dma_wait3A_142] : memref<32x5x25x80xi32, #tpu.memory_space<hbm>> -> memref<1x1x25x80xi32, #tpu.memory_space<hbm>>
          %dma_wait3A_144 = tpu.memref_squeeze %dma_wait3A_143 : memref<1x1x25x80xi32, #tpu.memory_space<hbm>> -> memref<25x80xi32, #tpu.memory_space<hbm>>
          %dma_wait3A_145 = arith.constant 0 : i32
          %dma_wait3A_146 = arith.constant 0 : i32
          %dma_wait3A_147 = tpu.memref_slice %arg7[%sub3A_136, %dma_wait3A_145, %dma_wait3A_146] : memref<2x25x80xi32, #tpu.memory_space<vmem>> -> memref<1x25x80xi32, #tpu.memory_space<vmem>>
          %dma_wait3A_148 = tpu.memref_squeeze %dma_wait3A_147 : memref<1x25x80xi32, #tpu.memory_space<vmem>> -> memref<25x80xi32, #tpu.memory_space<vmem>>
          %dma_wait3A_149 = arith.constant 0 : i32
          %dma_wait3A_150 = arith.constant 0 : i32
          %dma_wait3A_151 = tpu.memref_slice %arg2[%add3A, %add3A_135, %dma_wait3A_149, %dma_wait3A_150] : memref<32x5x25x80xi32, #tpu.memory_space<hbm>> -> memref<1x1x25x80xi32, #tpu.memory_space<hbm>>
          %dma_wait3A_152 = tpu.memref_squeeze %dma_wait3A_151 : memref<1x1x25x80xi32, #tpu.memory_space<hbm>> -> memref<25x80xi32, #tpu.memory_space<hbm>>
          tpu.wait_dma2 semaphore(%arg12 : memref<!tpu.dma_semaphore, #tpu.memory_space<semaphore_mem>>) src(%dma_wait3A_152 : memref<25x80xi32, #tpu.memory_space<hbm>>) dst(%dma_wait3A_148 : memref<25x80xi32, #tpu.memory_space<vmem>>)
          %add3A_153 = arith.constant 1 : i32
          %add3A_154 = arith.addi %scan3A_70, %add3A_153 : i32
          %sub3A_155 = arith.constant 1 : i32
          %sub3A_156 = arith.subi %sub3A_155, %rem3A_71 : i32
          %dma_wait3A_157 = arith.constant 0 : i32
          %dma_wait3A_158 = arith.constant 0 : i32
          %dma_wait3A_159 = tpu.memref_slice %arg8[%sub3A_156, %dma_wait3A_157, %dma_wait3A_158] : memref<2x25x80xi32, #tpu.memory_space<vmem>> -> memref<1x25x80xi32, #tpu.memory_space<vmem>>
          %dma_wait3A_160 = tpu.memref_squeeze %dma_wait3A_159 : memref<1x25x80xi32, #tpu.memory_space<vmem>> -> memref<25x80xi32, #tpu.memory_space<vmem>>
          %dma_wait3A_161 = arith.constant 0 : i32
          %dma_wait3A_162 = arith.constant 0 : i32
          %dma_wait3A_163 = tpu.memref_slice %arg3[%add3A, %add3A_154, %dma_wait3A_161, %dma_wait3A_162] : memref<32x5x25x80xi32, #tpu.memory_space<hbm>> -> memref<1x1x25x80xi32, #tpu.memory_space<hbm>>
          %dma_wait3A_164 = tpu.memref_squeeze %dma_wait3A_163 : memref<1x1x25x80xi32, #tpu.memory_space<hbm>> -> memref<25x80xi32, #tpu.memory_space<hbm>>
          %dma_wait3A_165 = arith.constant 0 : i32
          %dma_wait3A_166 = arith.constant 0 : i32
          %dma_wait3A_167 = tpu.memref_slice %arg8[%sub3A_156, %dma_wait3A_165, %dma_wait3A_166] : memref<2x25x80xi32, #tpu.memory_space<vmem>> -> memref<1x25x80xi32, #tpu.memory_space<vmem>>
          %dma_wait3A_168 = tpu.memref_squeeze %dma_wait3A_167 : memref<1x25x80xi32, #tpu.memory_space<vmem>> -> memref<25x80xi32, #tpu.memory_space<vmem>>
          %dma_wait3A_169 = arith.constant 0 : i32
          %dma_wait3A_170 = arith.constant 0 : i32
          %dma_wait3A_171 = tpu.memref_slice %arg3[%add3A, %add3A_154, %dma_wait3A_169, %dma_wait3A_170] : memref<32x5x25x80xi32, #tpu.memory_space<hbm>> -> memref<1x1x25x80xi32, #tpu.memory_space<hbm>>
          %dma_wait3A_172 = tpu.memref_squeeze %dma_wait3A_171 : memref<1x1x25x80xi32, #tpu.memory_space<hbm>> -> memref<25x80xi32, #tpu.memory_space<hbm>>
          tpu.wait_dma2 semaphore(%arg12 : memref<!tpu.dma_semaphore, #tpu.memory_space<semaphore_mem>>) src(%dma_wait3A_172 : memref<25x80xi32, #tpu.memory_space<hbm>>) dst(%dma_wait3A_168 : memref<25x80xi32, #tpu.memory_space<vmem>>)
        } else {
        }
        %add3A_127 = arith.constant 2 : i32
        %add3A_128 = arith.addi %add3A_81, %add3A_127 : i32
        %lt3A_129 = arith.constant 125 : i32
        %lt3A_130 = arith.cmpi slt, %add3A_128, %lt3A_129 : i32
        %convert_element_type3A_131 = arith.extui %lt3A_130 : i1 to i32
        %cond3A_132 = arith.constant 0 : i32
        %cond3A_133 = arith.cmpi ne, %convert_element_type3A_131, %cond3A_132 : i32
        scf.if %cond3A_133 {
          %ge3A_134 = arith.constant 23 : i32
          %ge3A_135 = arith.cmpi sge, %scan3A_78, %ge3A_134 : i32
          %convert_element_type3A_136 = arith.extui %ge3A_135 : i1 to i32
          %add3A_137 = arith.addi %scan3A_70, %convert_element_type3A_136 : i32
          %rem3A_138 = arith.constant 2 : i32
          %rem3A_139 = arith.remsi %add3A_137, %rem3A_138 : i32
          %add3A_140 = arith.constant 2 : i32
          %add3A_141 = arith.addi %scan3A_78, %add3A_140 : i32
          %sub3A = arith.constant 25 : i32
          %sub3A_142 = arith.subi %add3A_141, %sub3A : i32
          %add3A_143 = arith.constant 2 : i32
          %add3A_144 = arith.addi %scan3A_78, %add3A_143 : i32
          %select_n3A = arith.select %ge3A_135, %sub3A_142, %add3A_144 : i32
          %add3A_145 = arith.constant 2 : i32
          %add3A_146 = arith.addi %add3A_81, %add3A_145 : i32
          %rem3A_147 = arith.constant 3 : i32
          %rem3A_148 = arith.remsi %add3A_146, %rem3A_147 : i32
          %dma_start3A_149 = arith.constant 0 : i32
          %dma_start3A_150 = arith.constant 0 : i32
          %dma_start3A_151 = tpu.memref_slice %arg9[%rem3A_148, %dma_start3A_149, %dma_start3A_150] : memref<3x80x128xf32, #tpu.memory_space<vmem>> -> memref<1x80x128xf32, #tpu.memory_space<vmem>>
          %dma_start3A_152 = tpu.memref_squeeze %dma_start3A_151 : memref<1x80x128xf32, #tpu.memory_space<vmem>> -> memref<80x128xf32, #tpu.memory_space<vmem>>
          %dma_start3A_153 = arith.constant 0 : i32
          %dma_start3A_154 = tpu.memref_slice %arg7[%rem3A_139, %select_n3A, %dma_start3A_153] : memref<2x25x80xi32, #tpu.memory_space<vmem>> -> memref<1x1x80xi32, #tpu.memory_space<vmem>>
          %dma_start3A_155 = tpu.memref_squeeze %dma_start3A_154 : memref<1x1x80xi32, #tpu.memory_space<vmem>> -> memref<80xi32, #tpu.memory_space<vmem>>
          %dma_start3A_156 = arith.constant 0 : i32
          %dma_start3A_157 = arith.constant 0 : i32
          %dma_start3A_158 = tpu.memref_slice %arg4[%dma_start3A_156, %dma_start3A_157] : memref<10000x128xf32, #tpu.memory_space<hbm>> -> memref<10000x128xf32, #tpu.memory_space<hbm>>
          %dma_start3A_159 = tpu.memref_slice %arg11[%rem3A_148] : memref<3x!tpu.dma_semaphore, #tpu.memory_space<semaphore_mem>> -> memref<1x!tpu.dma_semaphore, #tpu.memory_space<semaphore_mem>>
          %dma_start3A_160 = tpu.memref_squeeze %dma_start3A_159 : memref<1x!tpu.dma_semaphore, #tpu.memory_space<semaphore_mem>> -> memref<!tpu.dma_semaphore, #tpu.memory_space<semaphore_mem>>
          tpu.enqueue_indirect_dma source(%dma_start3A_158 : memref<10000x128xf32, #tpu.memory_space<hbm>>) target(%dma_start3A_152 : memref<80x128xf32, #tpu.memory_space<vmem>>) offsets(%dma_start3A_155 : memref<80xi32, #tpu.memory_space<vmem>>) semaphore(%dma_start3A_160 : memref<!tpu.dma_semaphore, #tpu.memory_space<semaphore_mem>>)
        } else {
        }
      }
      %scan3A_77 = arith.constant 25 : i32
    }
    %scan3A_53 = arith.constant 5 : i32
    %dma_wait3A = arith.constant 1 : i32
    %dma_wait3A_54 = arith.constant 0 : i32
    %dma_wait3A_55 = arith.constant 0 : i32
    %dma_wait3A_56 = arith.constant 1 : i32
    %dma_wait3A_57 = arith.constant 0 : i32
    %dma_wait3A_58 = arith.constant 0 : i32
    %dma_wait3A_59 = tpu.memref_slice %arg9[%dma_wait3A, %dma_wait3A_57, %dma_wait3A_58] : memref<3x80x128xf32, #tpu.memory_space<vmem>> -> memref<1x80x128xf32, #tpu.memory_space<vmem>>
    %dma_wait3A_60 = tpu.memref_squeeze %dma_wait3A_59 : memref<1x80x128xf32, #tpu.memory_space<vmem>> -> memref<80x128xf32, #tpu.memory_space<vmem>>
    %dma_wait3A_61 = arith.constant 0 : i32
    %dma_wait3A_62 = tpu.memref_slice %arg8[%dma_wait3A_54, %dma_wait3A_55, %dma_wait3A_61] : memref<2x25x80xi32, #tpu.memory_space<vmem>> -> memref<1x1x80xi32, #tpu.memory_space<vmem>>
    %dma_wait3A_63 = tpu.memref_squeeze %dma_wait3A_62 : memref<1x1x80xi32, #tpu.memory_space<vmem>> -> memref<80xi32, #tpu.memory_space<vmem>>
    %dma_wait3A_64 = arith.constant 0 : i32
    %dma_wait3A_65 = arith.constant 0 : i32
    %dma_wait3A_66 = tpu.memref_slice %arg10[%dma_wait3A_64, %dma_wait3A_65] : memref<10240x128xf32, #tpu.memory_space<vmem_shared>> -> memref<10240x128xf32, #tpu.memory_space<vmem_shared>>
    %dma_wait3A_67 = tpu.memref_slice %arg11[%dma_wait3A_56] : memref<3x!tpu.dma_semaphore, #tpu.memory_space<semaphore_mem>> -> memref<1x!tpu.dma_semaphore, #tpu.memory_space<semaphore_mem>>
    %dma_wait3A_68 = tpu.memref_squeeze %dma_wait3A_67 : memref<1x!tpu.dma_semaphore, #tpu.memory_space<semaphore_mem>> -> memref<!tpu.dma_semaphore, #tpu.memory_space<semaphore_mem>>
    tpu.wait_indirect_dma semaphore(%dma_wait3A_68 : memref<!tpu.dma_semaphore, #tpu.memory_space<semaphore_mem>>) src(%dma_wait3A_60 : memref<80x128xf32, #tpu.memory_space<vmem>>) dst(%dma_wait3A_66 : memref<10240x128xf32, #tpu.memory_space<vmem_shared>>)
    %barrier3A_69 = arith.constant 0 : index
    tpu.barrier barrier_id(%barrier3A_69)
    "tpu.region"() ({
      %run_scoped3A_70 = tpu.sem_alloc : memref<!tpu.dma_semaphore, #tpu.memory_space<semaphore_mem>>
      %dma_start3A_71 = arith.constant 0 : i32
      %dma_start3A_72 = tpu.memref_slice %arg6[%arg0, %mul3A_2, %dma_start3A_71] : memref<2x10240x128xf32, #tpu.memory_space<hbm>> -> memref<1x640x128xf32, #tpu.memory_space<hbm>>
      %dma_start3A_73 = tpu.memref_squeeze %dma_start3A_72 : memref<1x640x128xf32, #tpu.memory_space<hbm>> -> memref<640x128xf32, #tpu.memory_space<hbm>>
      %dma_start3A_74 = arith.constant 0 : i32
      %dma_start3A_75 = tpu.memref_slice %arg10[%mul3A_2, %dma_start3A_74] : memref<10240x128xf32, #tpu.memory_space<vmem_shared>> -> memref<640x128xf32, #tpu.memory_space<vmem_shared>>
      tpu.enqueue_dma source(%dma_start3A_75 : memref<640x128xf32, #tpu.memory_space<vmem_shared>>) target(%dma_start3A_73 : memref<640x128xf32, #tpu.memory_space<hbm>>) target_semaphore(%run_scoped3A_70 : memref<!tpu.dma_semaphore, #tpu.memory_space<semaphore_mem>>)
      %dma_wait3A_76 = arith.constant 0 : i32
      %dma_wait3A_77 = tpu.memref_slice %arg6[%arg0, %mul3A_2, %dma_wait3A_76] : memref<2x10240x128xf32, #tpu.memory_space<hbm>> -> memref<1x640x128xf32, #tpu.memory_space<hbm>>
      %dma_wait3A_78 = tpu.memref_squeeze %dma_wait3A_77 : memref<1x640x128xf32, #tpu.memory_space<hbm>> -> memref<640x128xf32, #tpu.memory_space<hbm>>
      %dma_wait3A_79 = arith.constant 0 : i32
      %dma_wait3A_80 = tpu.memref_slice %arg10[%mul3A_2, %dma_wait3A_79] : memref<10240x128xf32, #tpu.memory_space<vmem_shared>> -> memref<640x128xf32, #tpu.memory_space<vmem_shared>>
      tpu.wait_dma2 semaphore(%run_scoped3A_70 : memref<!tpu.dma_semaphore, #tpu.memory_space<semaphore_mem>>) src(%dma_wait3A_80 : memref<640x128xf32, #tpu.memory_space<vmem_shared>>) dst(%dma_wait3A_78 : memref<640x128xf32, #tpu.memory_space<hbm>>)
      tpu.yield
    }) : () -> ()
    return
  }
}

#map = affine_map<(d0, d1) -> (0, 0, 0, 0)>
#map1 = affine_map<(d0, d1) -> (0, 0)>
#map2 = affine_map<(d0, d1) -> (0, 0, 0)>
module attributes {stable_mosaic.version = 14 : i64} {
  func.func @_sc_scatter_rows(%arg0: i32, %arg1: i32, %arg2: memref<32x5x25x80xi32, #tpu.memory_space<hbm>>, %arg3: memref<32x5x25x80xi32, #tpu.memory_space<hbm>>, %arg4: memref<10000x128xf32, #tpu.memory_space<hbm>>, %arg5: memref<160x128xf32, #tpu.memory_space<hbm>>, %arg6: memref<2x10240x128xf32, #tpu.memory_space<hbm>>, %arg7: memref<2x25x80xi32, #tpu.memory_space<vmem>>, %arg8: memref<2x25x80xi32, #tpu.memory_space<vmem>>, %arg9: memref<3x80x128xf32, #tpu.memory_space<vmem>>, %arg10: memref<10240x128xf32, #tpu.memory_space<vmem_shared>>, %arg11: memref<3x!tpu.dma_semaphore, #tpu.memory_space<semaphore_mem>>, %arg12: memref<!tpu.dma_semaphore, #tpu.memory_space<semaphore_mem>>) attributes {dimension_semantics = [#tpu.dimension_semantics<core_parallel>, #tpu.dimension_semantics<subcore_parallel>], iteration_bounds = array<i64: 2, 16>, scalar_prefetch = 0 : i64, scratch_operands = 6 : i64, tpu.core_type = #tpu.core_type<sc_vector_subcore>, window_params = [{transform_indices = #map}, {transform_indices = #map}, {transform_indices = #map1}, {transform_indices = #map1}, {transform_indices = #map2}]} {
    %mul3A = arith.constant 2 : i32
    %mul3A_0 = arith.muli %arg1, %mul3A : i32
    %add3A = arith.addi %mul3A_0, %arg0 : i32
    %mul3A_1 = arith.constant 640 : i32
    %mul3A_2 = arith.muli %arg1, %mul3A_1 : i32
    %scan3A = arith.constant 0 : i32
    %scan3A_3 = arith.constant 0 : i32
    %scan3A_4 = arith.constant 4 : i32
    %scan3A_5 = arith.addi %scan3A_3, %scan3A_4 : i32
    %scan3A_6 = arith.constant 1 : i32
    scf.for %scan3A_70 = %scan3A_3 to %scan3A_5 step %scan3A_6  : i32 {
      %mul3A_71 = arith.constant 160 : i32
      %mul3A_72 = arith.muli %scan3A_70, %mul3A_71 : i32
      %add3A_73 = arith.addi %mul3A_2, %mul3A_72 : i32
      %dma_start3A_74 = arith.constant 0 : i32
      %dma_start3A_75 = tpu.memref_slice %arg10[%add3A_73, %dma_start3A_74] : memref<10240x128xf32, #tpu.memory_space<vmem_shared>> -> memref<160x128xf32, #tpu.memory_space<vmem_shared>>
      tpu.enqueue_dma source(%arg5 : memref<160x128xf32, #tpu.memory_space<hbm>>) target(%dma_start3A_75 : memref<160x128xf32, #tpu.memory_space<vmem_shared>>) target_semaphore(%arg12 : memref<!tpu.dma_semaphore, #tpu.memory_space<semaphore_mem>>)
    }
    %scan3A_7 = arith.constant 4 : i32
    %run_scoped3A = arith.constant 0 : i32
    %run_scoped3A_8 = arith.constant 0 : i32
    "tpu.region"() ({
      %run_scoped3A_70 = tpu.sem_alloc : memref<!tpu.dma_semaphore, #tpu.memory_space<semaphore_mem>>
      %dma_start3A_71 = arith.constant 0 : i32
      %dma_start3A_72 = arith.constant 0 : i32
      %dma_start3A_73 = tpu.memref_slice %arg7[%run_scoped3A_8, %dma_start3A_71, %dma_start3A_72] : memref<2x25x80xi32, #tpu.memory_space<vmem>> -> memref<1x25x80xi32, #tpu.memory_space<vmem>>
      %dma_start3A_74 = tpu.memref_squeeze %dma_start3A_73 : memref<1x25x80xi32, #tpu.memory_space<vmem>> -> memref<25x80xi32, #tpu.memory_space<vmem>>
      %dma_start3A_75 = arith.constant 0 : i32
      %dma_start3A_76 = arith.constant 0 : i32
      %dma_start3A_77 = tpu.memref_slice %arg2[%add3A, %run_scoped3A, %dma_start3A_75, %dma_start3A_76] : memref<32x5x25x80xi32, #tpu.memory_space<hbm>> -> memref<1x1x25x80xi32, #tpu.memory_space<hbm>>
      %dma_start3A_78 = tpu.memref_squeeze %dma_start3A_77 : memref<1x1x25x80xi32, #tpu.memory_space<hbm>> -> memref<25x80xi32, #tpu.memory_space<hbm>>
      %dma_start3A_79 = arith.constant 0 : i32
      %dma_start3A_80 = arith.constant 0 : i32
      %dma_start3A_81 = tpu.memref_slice %arg7[%run_scoped3A_8, %dma_start3A_79, %dma_start3A_80] : memref<2x25x80xi32, #tpu.memory_space<vmem>> -> memref<1x25x80xi32, #tpu.memory_space<vmem>>
      %dma_start3A_82 = tpu.memref_squeeze %dma_start3A_81 : memref<1x25x80xi32, #tpu.memory_space<vmem>> -> memref<25x80xi32, #tpu.memory_space<vmem>>
      %dma_start3A_83 = arith.constant 0 : i32
      %dma_start3A_84 = arith.constant 0 : i32
      %dma_start3A_85 = tpu.memref_slice %arg2[%add3A, %run_scoped3A, %dma_start3A_83, %dma_start3A_84] : memref<32x5x25x80xi32, #tpu.memory_space<hbm>> -> memref<1x1x25x80xi32, #tpu.memory_space<hbm>>
      %dma_start3A_86 = tpu.memref_squeeze %dma_start3A_85 : memref<1x1x25x80xi32, #tpu.memory_space<hbm>> -> memref<25x80xi32, #tpu.memory_space<hbm>>
      tpu.enqueue_dma source(%dma_start3A_86 : memref<25x80xi32, #tpu.memory_space<hbm>>) target(%dma_start3A_82 : memref<25x80xi32, #tpu.memory_space<vmem>>) target_semaphore(%run_scoped3A_70 : memref<!tpu.dma_semaphore, #tpu.memory_space<semaphore_mem>>)
      %dma_wait3A_87 = arith.constant 0 : i32
      %dma_wait3A_88 = arith.constant 0 : i32
      %dma_wait3A_89 = tpu.memref_slice %arg7[%run_scoped3A_8, %dma_wait3A_87, %dma_wait3A_88] : memref<2x25x80xi32, #tpu.memory_space<vmem>> -> memref<1x25x80xi32, #tpu.memory_space<vmem>>
      %dma_wait3A_90 = tpu.memref_squeeze %dma_wait3A_89 : memref<1x25x80xi32, #tpu.memory_space<vmem>> -> memref<25x80xi32, #tpu.memory_space<vmem>>
      %dma_wait3A_91 = arith.constant 0 : i32
      %dma_wait3A_92 = arith.constant 0 : i32
      %dma_wait3A_93 = tpu.memref_slice %arg2[%add3A, %run_scoped3A, %dma_wait3A_91, %dma_wait3A_92] : memref<32x5x25x80xi32, #tpu.memory_space<hbm>> -> memref<1x1x25x80xi32, #tpu.memory_space<hbm>>
      %dma_wait3A_94 = tpu.memref_squeeze %dma_wait3A_93 : memref<1x1x25x80xi32, #tpu.memory_space<hbm>> -> memref<25x80xi32, #tpu.memory_space<hbm>>
      %dma_wait3A_95 = arith.constant 0 : i32
      %dma_wait3A_96 = arith.constant 0 : i32
      %dma_wait3A_97 = tpu.memref_slice %arg7[%run_scoped3A_8, %dma_wait3A_95, %dma_wait3A_96] : memref<2x25x80xi32, #tpu.memory_space<vmem>> -> memref<1x25x80xi32, #tpu.memory_space<vmem>>
      %dma_wait3A_98 = tpu.memref_squeeze %dma_wait3A_97 : memref<1x25x80xi32, #tpu.memory_space<vmem>> -> memref<25x80xi32, #tpu.memory_space<vmem>>
      %dma_wait3A_99 = arith.constant 0 : i32
      %dma_wait3A_100 = arith.constant 0 : i32
      %dma_wait3A_101 = tpu.memref_slice %arg2[%add3A, %run_scoped3A, %dma_wait3A_99, %dma_wait3A_100] : memref<32x5x25x80xi32, #tpu.memory_space<hbm>> -> memref<1x1x25x80xi32, #tpu.memory_space<hbm>>
      %dma_wait3A_102 = tpu.memref_squeeze %dma_wait3A_101 : memref<1x1x25x80xi32, #tpu.memory_space<hbm>> -> memref<25x80xi32, #tpu.memory_space<hbm>>
      tpu.wait_dma2 semaphore(%run_scoped3A_70 : memref<!tpu.dma_semaphore, #tpu.memory_space<semaphore_mem>>) src(%dma_wait3A_102 : memref<25x80xi32, #tpu.memory_space<hbm>>) dst(%dma_wait3A_98 : memref<25x80xi32, #tpu.memory_space<vmem>>)
      tpu.yield
    }) : () -> ()
    %run_scoped3A_9 = arith.constant 0 : i32
    %run_scoped3A_10 = arith.constant 0 : i32
    "tpu.region"() ({
      %run_scoped3A_70 = tpu.sem_alloc : memref<!tpu.dma_semaphore, #tpu.memory_space<semaphore_mem>>
      %dma_start3A_71 = arith.constant 0 : i32
      %dma_start3A_72 = arith.constant 0 : i32
      %dma_start3A_73 = tpu.memref_slice %arg8[%run_scoped3A_10, %dma_start3A_71, %dma_start3A_72] : memref<2x25x80xi32, #tpu.memory_space<vmem>> -> memref<1x25x80xi32, #tpu.memory_space<vmem>>
      %dma_start3A_74 = tpu.memref_squeeze %dma_start3A_73 : memref<1x25x80xi32, #tpu.memory_space<vmem>> -> memref<25x80xi32, #tpu.memory_space<vmem>>
      %dma_start3A_75 = arith.constant 0 : i32
      %dma_start3A_76 = arith.constant 0 : i32
      %dma_start3A_77 = tpu.memref_slice %arg3[%add3A, %run_scoped3A_9, %dma_start3A_75, %dma_start3A_76] : memref<32x5x25x80xi32, #tpu.memory_space<hbm>> -> memref<1x1x25x80xi32, #tpu.memory_space<hbm>>
      %dma_start3A_78 = tpu.memref_squeeze %dma_start3A_77 : memref<1x1x25x80xi32, #tpu.memory_space<hbm>> -> memref<25x80xi32, #tpu.memory_space<hbm>>
      %dma_start3A_79 = arith.constant 0 : i32
      %dma_start3A_80 = arith.constant 0 : i32
      %dma_start3A_81 = tpu.memref_slice %arg8[%run_scoped3A_10, %dma_start3A_79, %dma_start3A_80] : memref<2x25x80xi32, #tpu.memory_space<vmem>> -> memref<1x25x80xi32, #tpu.memory_space<vmem>>
      %dma_start3A_82 = tpu.memref_squeeze %dma_start3A_81 : memref<1x25x80xi32, #tpu.memory_space<vmem>> -> memref<25x80xi32, #tpu.memory_space<vmem>>
      %dma_start3A_83 = arith.constant 0 : i32
      %dma_start3A_84 = arith.constant 0 : i32
      %dma_start3A_85 = tpu.memref_slice %arg3[%add3A, %run_scoped3A_9, %dma_start3A_83, %dma_start3A_84] : memref<32x5x25x80xi32, #tpu.memory_space<hbm>> -> memref<1x1x25x80xi32, #tpu.memory_space<hbm>>
      %dma_start3A_86 = tpu.memref_squeeze %dma_start3A_85 : memref<1x1x25x80xi32, #tpu.memory_space<hbm>> -> memref<25x80xi32, #tpu.memory_space<hbm>>
      tpu.enqueue_dma source(%dma_start3A_86 : memref<25x80xi32, #tpu.memory_space<hbm>>) target(%dma_start3A_82 : memref<25x80xi32, #tpu.memory_space<vmem>>) target_semaphore(%run_scoped3A_70 : memref<!tpu.dma_semaphore, #tpu.memory_space<semaphore_mem>>)
      %dma_wait3A_87 = arith.constant 0 : i32
      %dma_wait3A_88 = arith.constant 0 : i32
      %dma_wait3A_89 = tpu.memref_slice %arg8[%run_scoped3A_10, %dma_wait3A_87, %dma_wait3A_88] : memref<2x25x80xi32, #tpu.memory_space<vmem>> -> memref<1x25x80xi32, #tpu.memory_space<vmem>>
      %dma_wait3A_90 = tpu.memref_squeeze %dma_wait3A_89 : memref<1x25x80xi32, #tpu.memory_space<vmem>> -> memref<25x80xi32, #tpu.memory_space<vmem>>
      %dma_wait3A_91 = arith.constant 0 : i32
      %dma_wait3A_92 = arith.constant 0 : i32
      %dma_wait3A_93 = tpu.memref_slice %arg3[%add3A, %run_scoped3A_9, %dma_wait3A_91, %dma_wait3A_92] : memref<32x5x25x80xi32, #tpu.memory_space<hbm>> -> memref<1x1x25x80xi32, #tpu.memory_space<hbm>>
      %dma_wait3A_94 = tpu.memref_squeeze %dma_wait3A_93 : memref<1x1x25x80xi32, #tpu.memory_space<hbm>> -> memref<25x80xi32, #tpu.memory_space<hbm>>
      %dma_wait3A_95 = arith.constant 0 : i32
      %dma_wait3A_96 = arith.constant 0 : i32
      %dma_wait3A_97 = tpu.memref_slice %arg8[%run_scoped3A_10, %dma_wait3A_95, %dma_wait3A_96] : memref<2x25x80xi32, #tpu.memory_space<vmem>> -> memref<1x25x80xi32, #tpu.memory_space<vmem>>
      %dma_wait3A_98 = tpu.memref_squeeze %dma_wait3A_97 : memref<1x25x80xi32, #tpu.memory_space<vmem>> -> memref<25x80xi32, #tpu.memory_space<vmem>>
      %dma_wait3A_99 = arith.constant 0 : i32
      %dma_wait3A_100 = arith.constant 0 : i32
      %dma_wait3A_101 = tpu.memref_slice %arg3[%add3A, %run_scoped3A_9, %dma_wait3A_99, %dma_wait3A_100] : memref<32x5x25x80xi32, #tpu.memory_space<hbm>> -> memref<1x1x25x80xi32, #tpu.memory_space<hbm>>
      %dma_wait3A_102 = tpu.memref_squeeze %dma_wait3A_101 : memref<1x1x25x80xi32, #tpu.memory_space<hbm>> -> memref<25x80xi32, #tpu.memory_space<hbm>>
      tpu.wait_dma2 semaphore(%run_scoped3A_70 : memref<!tpu.dma_semaphore, #tpu.memory_space<semaphore_mem>>) src(%dma_wait3A_102 : memref<25x80xi32, #tpu.memory_space<hbm>>) dst(%dma_wait3A_98 : memref<25x80xi32, #tpu.memory_space<vmem>>)
      tpu.yield
    }) : () -> ()
    %scan3A_11 = arith.constant 0 : i32
    %scan3A_12 = arith.constant 0 : i32
    %scan3A_13 = arith.constant 4 : i32
    %scan3A_14 = arith.addi %scan3A_12, %scan3A_13 : i32
    %scan3A_15 = arith.constant 1 : i32
    scf.for %scan3A_70 = %scan3A_12 to %scan3A_14 step %scan3A_15  : i32 {
      %mul3A_71 = arith.constant 160 : i32
      %mul3A_72 = arith.muli %scan3A_70, %mul3A_71 : i32
      %add3A_73 = arith.addi %mul3A_2, %mul3A_72 : i32
      %dma_wait3A_74 = arith.constant 0 : i32
      %dma_wait3A_75 = tpu.memref_slice %arg10[%add3A_73, %dma_wait3A_74] : memref<10240x128xf32, #tpu.memory_space<vmem_shared>> -> memref<160x128xf32, #tpu.memory_space<vmem_shared>>
      tpu.wait_dma2 semaphore(%arg12 : memref<!tpu.dma_semaphore, #tpu.memory_space<semaphore_mem>>) src(%arg5 : memref<160x128xf32, #tpu.memory_space<hbm>>) dst(%dma_wait3A_75 : memref<160x128xf32, #tpu.memory_space<vmem_shared>>)
    }
    %scan3A_16 = arith.constant 4 : i32
    %barrier3A = arith.constant 0 : index
    tpu.barrier barrier_id(%barrier3A)
    %dma_start3A = arith.constant 0 : i32
    %dma_start3A_17 = arith.constant 0 : i32
    %dma_start3A_18 = arith.constant 0 : i32
    %dma_start3A_19 = arith.constant 0 : i32
    %dma_start3A_20 = arith.constant 0 : i32
    %dma_start3A_21 = arith.constant 0 : i32
    %dma_start3A_22 = tpu.memref_slice %arg9[%dma_start3A_18, %dma_start3A_20, %dma_start3A_21] : memref<3x80x128xf32, #tpu.memory_space<vmem>> -> memref<1x80x128xf32, #tpu.memory_space<vmem>>
    %dma_start3A_23 = tpu.memref_squeeze %dma_start3A_22 : memref<1x80x128xf32, #tpu.memory_space<vmem>> -> memref<80x128xf32, #tpu.memory_space<vmem>>
    %dma_start3A_24 = arith.constant 0 : i32
    %dma_start3A_25 = tpu.memref_slice %arg7[%dma_start3A, %dma_start3A_17, %dma_start3A_24] : memref<2x25x80xi32, #tpu.memory_space<vmem>> -> memref<1x1x80xi32, #tpu.memory_space<vmem>>
    %dma_start3A_26 = tpu.memref_squeeze %dma_start3A_25 : memref<1x1x80xi32, #tpu.memory_space<vmem>> -> memref<80xi32, #tpu.memory_space<vmem>>
    %dma_start3A_27 = arith.constant 0 : i32
    %dma_start3A_28 = arith.constant 0 : i32
    %dma_start3A_29 = tpu.memref_slice %arg4[%dma_start3A_27, %dma_start3A_28] : memref<10000x128xf32, #tpu.memory_space<hbm>> -> memref<10000x128xf32, #tpu.memory_space<hbm>>
    %dma_start3A_30 = tpu.memref_slice %arg11[%dma_start3A_19] : memref<3x!tpu.dma_semaphore, #tpu.memory_space<semaphore_mem>> -> memref<1x!tpu.dma_semaphore, #tpu.memory_space<semaphore_mem>>
    %dma_start3A_31 = tpu.memref_squeeze %dma_start3A_30 : memref<1x!tpu.dma_semaphore, #tpu.memory_space<semaphore_mem>> -> memref<!tpu.dma_semaphore, #tpu.memory_space<semaphore_mem>>
    tpu.enqueue_indirect_dma source(%dma_start3A_29 : memref<10000x128xf32, #tpu.memory_space<hbm>>) target(%dma_start3A_23 : memref<80x128xf32, #tpu.memory_space<vmem>>) offsets(%dma_start3A_26 : memref<80xi32, #tpu.memory_space<vmem>>) semaphore(%dma_start3A_31 : memref<!tpu.dma_semaphore, #tpu.memory_space<semaphore_mem>>)
    %dma_start3A_32 = arith.constant 0 : i32
    %dma_start3A_33 = arith.constant 1 : i32
    %dma_start3A_34 = arith.constant 1 : i32
    %dma_start3A_35 = arith.constant 1 : i32
    %dma_start3A_36 = arith.constant 0 : i32
    %dma_start3A_37 = arith.constant 0 : i32
    %dma_start3A_38 = tpu.memref_slice %arg9[%dma_start3A_34, %dma_start3A_36, %dma_start3A_37] : memref<3x80x128xf32, #tpu.memory_space<vmem>> -> memref<1x80x128xf32, #tpu.memory_space<vmem>>
    %dma_start3A_39 = tpu.memref_squeeze %dma_start3A_38 : memref<1x80x128xf32, #tpu.memory_space<vmem>> -> memref<80x128xf32, #tpu.memory_space<vmem>>
    %dma_start3A_40 = arith.constant 0 : i32
    %dma_start3A_41 = tpu.memref_slice %arg7[%dma_start3A_32, %dma_start3A_33, %dma_start3A_40] : memref<2x25x80xi32, #tpu.memory_space<vmem>> -> memref<1x1x80xi32, #tpu.memory_space<vmem>>
    %dma_start3A_42 = tpu.memref_squeeze %dma_start3A_41 : memref<1x1x80xi32, #tpu.memory_space<vmem>> -> memref<80xi32, #tpu.memory_space<vmem>>
    %dma_start3A_43 = arith.constant 0 : i32
    %dma_start3A_44 = arith.constant 0 : i32
    %dma_start3A_45 = tpu.memref_slice %arg4[%dma_start3A_43, %dma_start3A_44] : memref<10000x128xf32, #tpu.memory_space<hbm>> -> memref<10000x128xf32, #tpu.memory_space<hbm>>
    %dma_start3A_46 = tpu.memref_slice %arg11[%dma_start3A_35] : memref<3x!tpu.dma_semaphore, #tpu.memory_space<semaphore_mem>> -> memref<1x!tpu.dma_semaphore, #tpu.memory_space<semaphore_mem>>
    %dma_start3A_47 = tpu.memref_squeeze %dma_start3A_46 : memref<1x!tpu.dma_semaphore, #tpu.memory_space<semaphore_mem>> -> memref<!tpu.dma_semaphore, #tpu.memory_space<semaphore_mem>>
    tpu.enqueue_indirect_dma source(%dma_start3A_45 : memref<10000x128xf32, #tpu.memory_space<hbm>>) target(%dma_start3A_39 : memref<80x128xf32, #tpu.memory_space<vmem>>) offsets(%dma_start3A_42 : memref<80xi32, #tpu.memory_space<vmem>>) semaphore(%dma_start3A_47 : memref<!tpu.dma_semaphore, #tpu.memory_space<semaphore_mem>>)
    %scan3A_48 = arith.constant 0 : i32
    %scan3A_49 = arith.constant 0 : i32
    %scan3A_50 = arith.constant 5 : i32
    %scan3A_51 = arith.addi %scan3A_49, %scan3A_50 : i32
    %scan3A_52 = arith.constant 1 : i32
    scf.for %scan3A_70 = %scan3A_49 to %scan3A_51 step %scan3A_52  : i32 {
      %rem3A = arith.constant 2 : i32
      %rem3A_71 = arith.remsi %scan3A_70, %rem3A : i32
      %scan3A_72 = arith.constant 0 : i32
      %scan3A_73 = arith.constant 0 : i32
      %scan3A_74 = arith.constant 25 : i32
      %scan3A_75 = arith.addi %scan3A_73, %scan3A_74 : i32
      %scan3A_76 = arith.constant 1 : i32
      scf.for %scan3A_78 = %scan3A_73 to %scan3A_75 step %scan3A_76  : i32 {
        %mul3A_79 = arith.constant 25 : i32
        %mul3A_80 = arith.muli %scan3A_70, %mul3A_79 : i32
        %add3A_81 = arith.addi %mul3A_80, %scan3A_78 : i32
        %rem3A_82 = arith.constant 3 : i32
        %rem3A_83 = arith.remsi %add3A_81, %rem3A_82 : i32
        %dma_wait3A_84 = arith.constant 0 : i32
        %dma_wait3A_85 = arith.constant 0 : i32
        %dma_wait3A_86 = tpu.memref_slice %arg9[%rem3A_83, %dma_wait3A_84, %dma_wait3A_85] : memref<3x80x128xf32, #tpu.memory_space<vmem>> -> memref<1x80x128xf32, #tpu.memory_space<vmem>>
        %dma_wait3A_87 = tpu.memref_squeeze %dma_wait3A_86 : memref<1x80x128xf32, #tpu.memory_space<vmem>> -> memref<80x128xf32, #tpu.memory_space<vmem>>
        %dma_wait3A_88 = arith.constant 0 : i32
        %dma_wait3A_89 = tpu.memref_slice %arg7[%rem3A_71, %scan3A_78, %dma_wait3A_88] : memref<2x25x80xi32, #tpu.memory_space<vmem>> -> memref<1x1x80xi32, #tpu.memory_space<vmem>>
        %dma_wait3A_90 = tpu.memref_squeeze %dma_wait3A_89 : memref<1x1x80xi32, #tpu.memory_space<vmem>> -> memref<80xi32, #tpu.memory_space<vmem>>
        %dma_wait3A_91 = arith.constant 0 : i32
        %dma_wait3A_92 = arith.constant 0 : i32
        %dma_wait3A_93 = tpu.memref_slice %arg4[%dma_wait3A_91, %dma_wait3A_92] : memref<10000x128xf32, #tpu.memory_space<hbm>> -> memref<10000x128xf32, #tpu.memory_space<hbm>>
        %dma_wait3A_94 = tpu.memref_slice %arg11[%rem3A_83] : memref<3x!tpu.dma_semaphore, #tpu.memory_space<semaphore_mem>> -> memref<1x!tpu.dma_semaphore, #tpu.memory_space<semaphore_mem>>
        %dma_wait3A_95 = tpu.memref_squeeze %dma_wait3A_94 : memref<1x!tpu.dma_semaphore, #tpu.memory_space<semaphore_mem>> -> memref<!tpu.dma_semaphore, #tpu.memory_space<semaphore_mem>>
        tpu.wait_indirect_dma semaphore(%dma_wait3A_95 : memref<!tpu.dma_semaphore, #tpu.memory_space<semaphore_mem>>) src(%dma_wait3A_93 : memref<10000x128xf32, #tpu.memory_space<hbm>>) dst(%dma_wait3A_87 : memref<80x128xf32, #tpu.memory_space<vmem>>)
        %dma_start3A_96 = arith.constant 0 : i32
        %dma_start3A_97 = arith.constant 0 : i32
        %dma_start3A_98 = tpu.memref_slice %arg9[%rem3A_83, %dma_start3A_96, %dma_start3A_97] : memref<3x80x128xf32, #tpu.memory_space<vmem>> -> memref<1x80x128xf32, #tpu.memory_space<vmem>>
        %dma_start3A_99 = tpu.memref_squeeze %dma_start3A_98 : memref<1x80x128xf32, #tpu.memory_space<vmem>> -> memref<80x128xf32, #tpu.memory_space<vmem>>
        %dma_start3A_100 = arith.constant 0 : i32
        %dma_start3A_101 = tpu.memref_slice %arg8[%rem3A_71, %scan3A_78, %dma_start3A_100] : memref<2x25x80xi32, #tpu.memory_space<vmem>> -> memref<1x1x80xi32, #tpu.memory_space<vmem>>
        %dma_start3A_102 = tpu.memref_squeeze %dma_start3A_101 : memref<1x1x80xi32, #tpu.memory_space<vmem>> -> memref<80xi32, #tpu.memory_space<vmem>>
        %dma_start3A_103 = arith.constant 0 : i32
        %dma_start3A_104 = arith.constant 0 : i32
        %dma_start3A_105 = tpu.memref_slice %arg10[%dma_start3A_103, %dma_start3A_104] : memref<10240x128xf32, #tpu.memory_space<vmem_shared>> -> memref<10240x128xf32, #tpu.memory_space<vmem_shared>>
        %dma_start3A_106 = tpu.memref_slice %arg11[%rem3A_83] : memref<3x!tpu.dma_semaphore, #tpu.memory_space<semaphore_mem>> -> memref<1x!tpu.dma_semaphore, #tpu.memory_space<semaphore_mem>>
        %dma_start3A_107 = tpu.memref_squeeze %dma_start3A_106 : memref<1x!tpu.dma_semaphore, #tpu.memory_space<semaphore_mem>> -> memref<!tpu.dma_semaphore, #tpu.memory_space<semaphore_mem>>
        tpu.enqueue_indirect_dma source(%dma_start3A_99 : memref<80x128xf32, #tpu.memory_space<vmem>>) target(%dma_start3A_105 : memref<10240x128xf32, #tpu.memory_space<vmem_shared>>) offsets(%dma_start3A_102 : memref<80xi32, #tpu.memory_space<vmem>>) semaphore(%dma_start3A_107 : memref<!tpu.dma_semaphore, #tpu.memory_space<semaphore_mem>>) {add = true}
        %ge3A = arith.constant 1 : i32
        %ge3A_108 = arith.cmpi sge, %add3A_81, %ge3A : i32
        %convert_element_type3A = arith.extui %ge3A_108 : i1 to i32
        %cond3A = arith.constant 0 : i32
        %cond3A_109 = arith.cmpi ne, %convert_element_type3A, %cond3A : i32
        scf.if %cond3A_109 {
          %add3A_134 = arith.constant 2 : i32
          %add3A_135 = arith.addi %add3A_81, %add3A_134 : i32
          %rem3A_136 = arith.constant 3 : i32
          %rem3A_137 = arith.remsi %add3A_135, %rem3A_136 : i32
          %dma_wait3A_138 = arith.constant 0 : i32
          %dma_wait3A_139 = arith.constant 0 : i32
          %dma_wait3A_140 = arith.constant 0 : i32
          %dma_wait3A_141 = tpu.memref_slice %arg9[%rem3A_137, %dma_wait3A_139, %dma_wait3A_140] : memref<3x80x128xf32, #tpu.memory_space<vmem>> -> memref<1x80x128xf32, #tpu.memory_space<vmem>>
          %dma_wait3A_142 = tpu.memref_squeeze %dma_wait3A_141 : memref<1x80x128xf32, #tpu.memory_space<vmem>> -> memref<80x128xf32, #tpu.memory_space<vmem>>
          %dma_wait3A_143 = arith.constant 0 : i32
          %dma_wait3A_144 = tpu.memref_slice %arg8[%rem3A_71, %dma_wait3A_138, %dma_wait3A_143] : memref<2x25x80xi32, #tpu.memory_space<vmem>> -> memref<1x1x80xi32, #tpu.memory_space<vmem>>
          %dma_wait3A_145 = tpu.memref_squeeze %dma_wait3A_144 : memref<1x1x80xi32, #tpu.memory_space<vmem>> -> memref<80xi32, #tpu.memory_space<vmem>>
          %dma_wait3A_146 = arith.constant 0 : i32
          %dma_wait3A_147 = arith.constant 0 : i32
          %dma_wait3A_148 = tpu.memref_slice %arg10[%dma_wait3A_146, %dma_wait3A_147] : memref<10240x128xf32, #tpu.memory_space<vmem_shared>> -> memref<10240x128xf32, #tpu.memory_space<vmem_shared>>
          %dma_wait3A_149 = tpu.memref_slice %arg11[%rem3A_137] : memref<3x!tpu.dma_semaphore, #tpu.memory_space<semaphore_mem>> -> memref<1x!tpu.dma_semaphore, #tpu.memory_space<semaphore_mem>>
          %dma_wait3A_150 = tpu.memref_squeeze %dma_wait3A_149 : memref<1x!tpu.dma_semaphore, #tpu.memory_space<semaphore_mem>> -> memref<!tpu.dma_semaphore, #tpu.memory_space<semaphore_mem>>
          tpu.wait_indirect_dma semaphore(%dma_wait3A_150 : memref<!tpu.dma_semaphore, #tpu.memory_space<semaphore_mem>>) src(%dma_wait3A_142 : memref<80x128xf32, #tpu.memory_space<vmem>>) dst(%dma_wait3A_148 : memref<10240x128xf32, #tpu.memory_space<vmem_shared>>)
        } else {
        }
        %eq3A = arith.constant 0 : i32
        %eq3A_110 = arith.cmpi eq, %scan3A_78, %eq3A : i32
        %add3A_111 = arith.constant 1 : i32
        %add3A_112 = arith.addi %scan3A_70, %add3A_111 : i32
        %lt3A = arith.constant 5 : i32
        %lt3A_113 = arith.cmpi slt, %add3A_112, %lt3A : i32
        %and3A = arith.andi %eq3A_110, %lt3A_113 : i1
        %convert_element_type3A_114 = arith.extui %and3A : i1 to i32
        %cond3A_115 = arith.constant 0 : i32
        %cond3A_116 = arith.cmpi ne, %convert_element_type3A_114, %cond3A_115 : i32
        scf.if %cond3A_116 {
          %add3A_134 = arith.constant 1 : i32
          %add3A_135 = arith.addi %scan3A_70, %add3A_134 : i32
          %sub3A = arith.constant 1 : i32
          %sub3A_136 = arith.subi %sub3A, %rem3A_71 : i32
          %dma_start3A_137 = arith.constant 0 : i32
          %dma_start3A_138 = arith.constant 0 : i32
          %dma_start3A_139 = tpu.memref_slice %arg7[%sub3A_136, %dma_start3A_137, %dma_start3A_138] : memref<2x25x80xi32, #tpu.memory_space<vmem>> -> memref<1x25x80xi32, #tpu.memory_space<vmem>>
          %dma_start3A_140 = tpu.memref_squeeze %dma_start3A_139 : memref<1x25x80xi32, #tpu.memory_space<vmem>> -> memref<25x80xi32, #tpu.memory_space<vmem>>
          %dma_start3A_141 = arith.constant 0 : i32
          %dma_start3A_142 = arith.constant 0 : i32
          %dma_start3A_143 = tpu.memref_slice %arg2[%add3A, %add3A_135, %dma_start3A_141, %dma_start3A_142] : memref<32x5x25x80xi32, #tpu.memory_space<hbm>> -> memref<1x1x25x80xi32, #tpu.memory_space<hbm>>
          %dma_start3A_144 = tpu.memref_squeeze %dma_start3A_143 : memref<1x1x25x80xi32, #tpu.memory_space<hbm>> -> memref<25x80xi32, #tpu.memory_space<hbm>>
          %dma_start3A_145 = arith.constant 0 : i32
          %dma_start3A_146 = arith.constant 0 : i32
          %dma_start3A_147 = tpu.memref_slice %arg7[%sub3A_136, %dma_start3A_145, %dma_start3A_146] : memref<2x25x80xi32, #tpu.memory_space<vmem>> -> memref<1x25x80xi32, #tpu.memory_space<vmem>>
          %dma_start3A_148 = tpu.memref_squeeze %dma_start3A_147 : memref<1x25x80xi32, #tpu.memory_space<vmem>> -> memref<25x80xi32, #tpu.memory_space<vmem>>
          %dma_start3A_149 = arith.constant 0 : i32
          %dma_start3A_150 = arith.constant 0 : i32
          %dma_start3A_151 = tpu.memref_slice %arg2[%add3A, %add3A_135, %dma_start3A_149, %dma_start3A_150] : memref<32x5x25x80xi32, #tpu.memory_space<hbm>> -> memref<1x1x25x80xi32, #tpu.memory_space<hbm>>
          %dma_start3A_152 = tpu.memref_squeeze %dma_start3A_151 : memref<1x1x25x80xi32, #tpu.memory_space<hbm>> -> memref<25x80xi32, #tpu.memory_space<hbm>>
          tpu.enqueue_dma source(%dma_start3A_152 : memref<25x80xi32, #tpu.memory_space<hbm>>) target(%dma_start3A_148 : memref<25x80xi32, #tpu.memory_space<vmem>>) target_semaphore(%arg12 : memref<!tpu.dma_semaphore, #tpu.memory_space<semaphore_mem>>)
          %add3A_153 = arith.constant 1 : i32
          %add3A_154 = arith.addi %scan3A_70, %add3A_153 : i32
          %sub3A_155 = arith.constant 1 : i32
          %sub3A_156 = arith.subi %sub3A_155, %rem3A_71 : i32
          %dma_start3A_157 = arith.constant 0 : i32
          %dma_start3A_158 = arith.constant 0 : i32
          %dma_start3A_159 = tpu.memref_slice %arg8[%sub3A_156, %dma_start3A_157, %dma_start3A_158] : memref<2x25x80xi32, #tpu.memory_space<vmem>> -> memref<1x25x80xi32, #tpu.memory_space<vmem>>
          %dma_start3A_160 = tpu.memref_squeeze %dma_start3A_159 : memref<1x25x80xi32, #tpu.memory_space<vmem>> -> memref<25x80xi32, #tpu.memory_space<vmem>>
          %dma_start3A_161 = arith.constant 0 : i32
          %dma_start3A_162 = arith.constant 0 : i32
          %dma_start3A_163 = tpu.memref_slice %arg3[%add3A, %add3A_154, %dma_start3A_161, %dma_start3A_162] : memref<32x5x25x80xi32, #tpu.memory_space<hbm>> -> memref<1x1x25x80xi32, #tpu.memory_space<hbm>>
          %dma_start3A_164 = tpu.memref_squeeze %dma_start3A_163 : memref<1x1x25x80xi32, #tpu.memory_space<hbm>> -> memref<25x80xi32, #tpu.memory_space<hbm>>
          %dma_start3A_165 = arith.constant 0 : i32
          %dma_start3A_166 = arith.constant 0 : i32
          %dma_start3A_167 = tpu.memref_slice %arg8[%sub3A_156, %dma_start3A_165, %dma_start3A_166] : memref<2x25x80xi32, #tpu.memory_space<vmem>> -> memref<1x25x80xi32, #tpu.memory_space<vmem>>
          %dma_start3A_168 = tpu.memref_squeeze %dma_start3A_167 : memref<1x25x80xi32, #tpu.memory_space<vmem>> -> memref<25x80xi32, #tpu.memory_space<vmem>>
          %dma_start3A_169 = arith.constant 0 : i32
          %dma_start3A_170 = arith.constant 0 : i32
          %dma_start3A_171 = tpu.memref_slice %arg3[%add3A, %add3A_154, %dma_start3A_169, %dma_start3A_170] : memref<32x5x25x80xi32, #tpu.memory_space<hbm>> -> memref<1x1x25x80xi32, #tpu.memory_space<hbm>>
          %dma_start3A_172 = tpu.memref_squeeze %dma_start3A_171 : memref<1x1x25x80xi32, #tpu.memory_space<hbm>> -> memref<25x80xi32, #tpu.memory_space<hbm>>
          tpu.enqueue_dma source(%dma_start3A_172 : memref<25x80xi32, #tpu.memory_space<hbm>>) target(%dma_start3A_168 : memref<25x80xi32, #tpu.memory_space<vmem>>) target_semaphore(%arg12 : memref<!tpu.dma_semaphore, #tpu.memory_space<semaphore_mem>>)
        } else {
        }
        %eq3A_117 = arith.constant 23 : i32
        %eq3A_118 = arith.cmpi eq, %scan3A_78, %eq3A_117 : i32
        %add3A_119 = arith.constant 1 : i32
        %add3A_120 = arith.addi %scan3A_70, %add3A_119 : i32
        %lt3A_121 = arith.constant 5 : i32
        %lt3A_122 = arith.cmpi slt, %add3A_120, %lt3A_121 : i32
        %and3A_123 = arith.andi %eq3A_118, %lt3A_122 : i1
        %convert_element_type3A_124 = arith.extui %and3A_123 : i1 to i32
        %cond3A_125 = arith.constant 0 : i32
        %cond3A_126 = arith.cmpi ne, %convert_element_type3A_124, %cond3A_125 : i32
        scf.if %cond3A_126 {
          %add3A_134 = arith.constant 1 : i32
          %add3A_135 = arith.addi %scan3A_70, %add3A_134 : i32
          %sub3A = arith.constant 1 : i32
          %sub3A_136 = arith.subi %sub3A, %rem3A_71 : i32
          %dma_wait3A_137 = arith.constant 0 : i32
          %dma_wait3A_138 = arith.constant 0 : i32
          %dma_wait3A_139 = tpu.memref_slice %arg7[%sub3A_136, %dma_wait3A_137, %dma_wait3A_138] : memref<2x25x80xi32, #tpu.memory_space<vmem>> -> memref<1x25x80xi32, #tpu.memory_space<vmem>>
          %dma_wait3A_140 = tpu.memref_squeeze %dma_wait3A_139 : memref<1x25x80xi32, #tpu.memory_space<vmem>> -> memref<25x80xi32, #tpu.memory_space<vmem>>
          %dma_wait3A_141 = arith.constant 0 : i32
          %dma_wait3A_142 = arith.constant 0 : i32
          %dma_wait3A_143 = tpu.memref_slice %arg2[%add3A, %add3A_135, %dma_wait3A_141, %dma_wait3A_142] : memref<32x5x25x80xi32, #tpu.memory_space<hbm>> -> memref<1x1x25x80xi32, #tpu.memory_space<hbm>>
          %dma_wait3A_144 = tpu.memref_squeeze %dma_wait3A_143 : memref<1x1x25x80xi32, #tpu.memory_space<hbm>> -> memref<25x80xi32, #tpu.memory_space<hbm>>
          %dma_wait3A_145 = arith.constant 0 : i32
          %dma_wait3A_146 = arith.constant 0 : i32
          %dma_wait3A_147 = tpu.memref_slice %arg7[%sub3A_136, %dma_wait3A_145, %dma_wait3A_146] : memref<2x25x80xi32, #tpu.memory_space<vmem>> -> memref<1x25x80xi32, #tpu.memory_space<vmem>>
          %dma_wait3A_148 = tpu.memref_squeeze %dma_wait3A_147 : memref<1x25x80xi32, #tpu.memory_space<vmem>> -> memref<25x80xi32, #tpu.memory_space<vmem>>
          %dma_wait3A_149 = arith.constant 0 : i32
          %dma_wait3A_150 = arith.constant 0 : i32
          %dma_wait3A_151 = tpu.memref_slice %arg2[%add3A, %add3A_135, %dma_wait3A_149, %dma_wait3A_150] : memref<32x5x25x80xi32, #tpu.memory_space<hbm>> -> memref<1x1x25x80xi32, #tpu.memory_space<hbm>>
          %dma_wait3A_152 = tpu.memref_squeeze %dma_wait3A_151 : memref<1x1x25x80xi32, #tpu.memory_space<hbm>> -> memref<25x80xi32, #tpu.memory_space<hbm>>
          tpu.wait_dma2 semaphore(%arg12 : memref<!tpu.dma_semaphore, #tpu.memory_space<semaphore_mem>>) src(%dma_wait3A_152 : memref<25x80xi32, #tpu.memory_space<hbm>>) dst(%dma_wait3A_148 : memref<25x80xi32, #tpu.memory_space<vmem>>)
          %add3A_153 = arith.constant 1 : i32
          %add3A_154 = arith.addi %scan3A_70, %add3A_153 : i32
          %sub3A_155 = arith.constant 1 : i32
          %sub3A_156 = arith.subi %sub3A_155, %rem3A_71 : i32
          %dma_wait3A_157 = arith.constant 0 : i32
          %dma_wait3A_158 = arith.constant 0 : i32
          %dma_wait3A_159 = tpu.memref_slice %arg8[%sub3A_156, %dma_wait3A_157, %dma_wait3A_158] : memref<2x25x80xi32, #tpu.memory_space<vmem>> -> memref<1x25x80xi32, #tpu.memory_space<vmem>>
          %dma_wait3A_160 = tpu.memref_squeeze %dma_wait3A_159 : memref<1x25x80xi32, #tpu.memory_space<vmem>> -> memref<25x80xi32, #tpu.memory_space<vmem>>
          %dma_wait3A_161 = arith.constant 0 : i32
          %dma_wait3A_162 = arith.constant 0 : i32
          %dma_wait3A_163 = tpu.memref_slice %arg3[%add3A, %add3A_154, %dma_wait3A_161, %dma_wait3A_162] : memref<32x5x25x80xi32, #tpu.memory_space<hbm>> -> memref<1x1x25x80xi32, #tpu.memory_space<hbm>>
          %dma_wait3A_164 = tpu.memref_squeeze %dma_wait3A_163 : memref<1x1x25x80xi32, #tpu.memory_space<hbm>> -> memref<25x80xi32, #tpu.memory_space<hbm>>
          %dma_wait3A_165 = arith.constant 0 : i32
          %dma_wait3A_166 = arith.constant 0 : i32
          %dma_wait3A_167 = tpu.memref_slice %arg8[%sub3A_156, %dma_wait3A_165, %dma_wait3A_166] : memref<2x25x80xi32, #tpu.memory_space<vmem>> -> memref<1x25x80xi32, #tpu.memory_space<vmem>>
          %dma_wait3A_168 = tpu.memref_squeeze %dma_wait3A_167 : memref<1x25x80xi32, #tpu.memory_space<vmem>> -> memref<25x80xi32, #tpu.memory_space<vmem>>
          %dma_wait3A_169 = arith.constant 0 : i32
          %dma_wait3A_170 = arith.constant 0 : i32
          %dma_wait3A_171 = tpu.memref_slice %arg3[%add3A, %add3A_154, %dma_wait3A_169, %dma_wait3A_170] : memref<32x5x25x80xi32, #tpu.memory_space<hbm>> -> memref<1x1x25x80xi32, #tpu.memory_space<hbm>>
          %dma_wait3A_172 = tpu.memref_squeeze %dma_wait3A_171 : memref<1x1x25x80xi32, #tpu.memory_space<hbm>> -> memref<25x80xi32, #tpu.memory_space<hbm>>
          tpu.wait_dma2 semaphore(%arg12 : memref<!tpu.dma_semaphore, #tpu.memory_space<semaphore_mem>>) src(%dma_wait3A_172 : memref<25x80xi32, #tpu.memory_space<hbm>>) dst(%dma_wait3A_168 : memref<25x80xi32, #tpu.memory_space<vmem>>)
        } else {
        }
        %add3A_127 = arith.constant 2 : i32
        %add3A_128 = arith.addi %add3A_81, %add3A_127 : i32
        %lt3A_129 = arith.constant 125 : i32
        %lt3A_130 = arith.cmpi slt, %add3A_128, %lt3A_129 : i32
        %convert_element_type3A_131 = arith.extui %lt3A_130 : i1 to i32
        %cond3A_132 = arith.constant 0 : i32
        %cond3A_133 = arith.cmpi ne, %convert_element_type3A_131, %cond3A_132 : i32
        scf.if %cond3A_133 {
          %ge3A_134 = arith.constant 23 : i32
          %ge3A_135 = arith.cmpi sge, %scan3A_78, %ge3A_134 : i32
          %convert_element_type3A_136 = arith.extui %ge3A_135 : i1 to i32
          %add3A_137 = arith.addi %scan3A_70, %convert_element_type3A_136 : i32
          %rem3A_138 = arith.constant 2 : i32
          %rem3A_139 = arith.remsi %add3A_137, %rem3A_138 : i32
          %add3A_140 = arith.constant 2 : i32
          %add3A_141 = arith.addi %scan3A_78, %add3A_140 : i32
          %sub3A = arith.constant 25 : i32
          %sub3A_142 = arith.subi %add3A_141, %sub3A : i32
          %add3A_143 = arith.constant 2 : i32
          %add3A_144 = arith.addi %scan3A_78, %add3A_143 : i32
          %select_n3A = arith.select %ge3A_135, %sub3A_142, %add3A_144 : i32
          %add3A_145 = arith.constant 2 : i32
          %add3A_146 = arith.addi %add3A_81, %add3A_145 : i32
          %rem3A_147 = arith.constant 3 : i32
          %rem3A_148 = arith.remsi %add3A_146, %rem3A_147 : i32
          %dma_start3A_149 = arith.constant 0 : i32
          %dma_start3A_150 = arith.constant 0 : i32
          %dma_start3A_151 = tpu.memref_slice %arg9[%rem3A_148, %dma_start3A_149, %dma_start3A_150] : memref<3x80x128xf32, #tpu.memory_space<vmem>> -> memref<1x80x128xf32, #tpu.memory_space<vmem>>
          %dma_start3A_152 = tpu.memref_squeeze %dma_start3A_151 : memref<1x80x128xf32, #tpu.memory_space<vmem>> -> memref<80x128xf32, #tpu.memory_space<vmem>>
          %dma_start3A_153 = arith.constant 0 : i32
          %dma_start3A_154 = tpu.memref_slice %arg7[%rem3A_139, %select_n3A, %dma_start3A_153] : memref<2x25x80xi32, #tpu.memory_space<vmem>> -> memref<1x1x80xi32, #tpu.memory_space<vmem>>
          %dma_start3A_155 = tpu.memref_squeeze %dma_start3A_154 : memref<1x1x80xi32, #tpu.memory_space<vmem>> -> memref<80xi32, #tpu.memory_space<vmem>>
          %dma_start3A_156 = arith.constant 0 : i32
          %dma_start3A_157 = arith.constant 0 : i32
          %dma_start3A_158 = tpu.memref_slice %arg4[%dma_start3A_156, %dma_start3A_157] : memref<10000x128xf32, #tpu.memory_space<hbm>> -> memref<10000x128xf32, #tpu.memory_space<hbm>>
          %dma_start3A_159 = tpu.memref_slice %arg11[%rem3A_148] : memref<3x!tpu.dma_semaphore, #tpu.memory_space<semaphore_mem>> -> memref<1x!tpu.dma_semaphore, #tpu.memory_space<semaphore_mem>>
          %dma_start3A_160 = tpu.memref_squeeze %dma_start3A_159 : memref<1x!tpu.dma_semaphore, #tpu.memory_space<semaphore_mem>> -> memref<!tpu.dma_semaphore, #tpu.memory_space<semaphore_mem>>
          tpu.enqueue_indirect_dma source(%dma_start3A_158 : memref<10000x128xf32, #tpu.memory_space<hbm>>) target(%dma_start3A_152 : memref<80x128xf32, #tpu.memory_space<vmem>>) offsets(%dma_start3A_155 : memref<80xi32, #tpu.memory_space<vmem>>) semaphore(%dma_start3A_160 : memref<!tpu.dma_semaphore, #tpu.memory_space<semaphore_mem>>)
        } else {
        }
      }
      %scan3A_77 = arith.constant 25 : i32
    }
    %scan3A_53 = arith.constant 5 : i32
    %dma_wait3A = arith.constant 1 : i32
    %dma_wait3A_54 = arith.constant 0 : i32
    %dma_wait3A_55 = arith.constant 0 : i32
    %dma_wait3A_56 = arith.constant 1 : i32
    %dma_wait3A_57 = arith.constant 0 : i32
    %dma_wait3A_58 = arith.constant 0 : i32
    %dma_wait3A_59 = tpu.memref_slice %arg9[%dma_wait3A, %dma_wait3A_57, %dma_wait3A_58] : memref<3x80x128xf32, #tpu.memory_space<vmem>> -> memref<1x80x128xf32, #tpu.memory_space<vmem>>
    %dma_wait3A_60 = tpu.memref_squeeze %dma_wait3A_59 : memref<1x80x128xf32, #tpu.memory_space<vmem>> -> memref<80x128xf32, #tpu.memory_space<vmem>>
    %dma_wait3A_61 = arith.constant 0 : i32
    %dma_wait3A_62 = tpu.memref_slice %arg8[%dma_wait3A_54, %dma_wait3A_55, %dma_wait3A_61] : memref<2x25x80xi32, #tpu.memory_space<vmem>> -> memref<1x1x80xi32, #tpu.memory_space<vmem>>
    %dma_wait3A_63 = tpu.memref_squeeze %dma_wait3A_62 : memref<1x1x80xi32, #tpu.memory_space<vmem>> -> memref<80xi32, #tpu.memory_space<vmem>>
    %dma_wait3A_64 = arith.constant 0 : i32
    %dma_wait3A_65 = arith.constant 0 : i32
    %dma_wait3A_66 = tpu.memref_slice %arg10[%dma_wait3A_64, %dma_wait3A_65] : memref<10240x128xf32, #tpu.memory_space<vmem_shared>> -> memref<10240x128xf32, #tpu.memory_space<vmem_shared>>
    %dma_wait3A_67 = tpu.memref_slice %arg11[%dma_wait3A_56] : memref<3x!tpu.dma_semaphore, #tpu.memory_space<semaphore_mem>> -> memref<1x!tpu.dma_semaphore, #tpu.memory_space<semaphore_mem>>
    %dma_wait3A_68 = tpu.memref_squeeze %dma_wait3A_67 : memref<1x!tpu.dma_semaphore, #tpu.memory_space<semaphore_mem>> -> memref<!tpu.dma_semaphore, #tpu.memory_space<semaphore_mem>>
    tpu.wait_indirect_dma semaphore(%dma_wait3A_68 : memref<!tpu.dma_semaphore, #tpu.memory_space<semaphore_mem>>) src(%dma_wait3A_60 : memref<80x128xf32, #tpu.memory_space<vmem>>) dst(%dma_wait3A_66 : memref<10240x128xf32, #tpu.memory_space<vmem_shared>>)
    %barrier3A_69 = arith.constant 0 : index
    tpu.barrier barrier_id(%barrier3A_69)
    "tpu.region"() ({
      %run_scoped3A_70 = tpu.sem_alloc : memref<!tpu.dma_semaphore, #tpu.memory_space<semaphore_mem>>
      %dma_start3A_71 = arith.constant 0 : i32
      %dma_start3A_72 = tpu.memref_slice %arg6[%arg0, %mul3A_2, %dma_start3A_71] : memref<2x10240x128xf32, #tpu.memory_space<hbm>> -> memref<1x640x128xf32, #tpu.memory_space<hbm>>
      %dma_start3A_73 = tpu.memref_squeeze %dma_start3A_72 : memref<1x640x128xf32, #tpu.memory_space<hbm>> -> memref<640x128xf32, #tpu.memory_space<hbm>>
      %dma_start3A_74 = arith.constant 0 : i32
      %dma_start3A_75 = tpu.memref_slice %arg10[%mul3A_2, %dma_start3A_74] : memref<10240x128xf32, #tpu.memory_space<vmem_shared>> -> memref<640x128xf32, #tpu.memory_space<vmem_shared>>
      tpu.enqueue_dma source(%dma_start3A_75 : memref<640x128xf32, #tpu.memory_space<vmem_shared>>) target(%dma_start3A_73 : memref<640x128xf32, #tpu.memory_space<hbm>>) target_semaphore(%run_scoped3A_70 : memref<!tpu.dma_semaphore, #tpu.memory_space<semaphore_mem>>)
      %dma_wait3A_76 = arith.constant 0 : i32
      %dma_wait3A_77 = tpu.memref_slice %arg6[%arg0, %mul3A_2, %dma_wait3A_76] : memref<2x10240x128xf32, #tpu.memory_space<hbm>> -> memref<1x640x128xf32, #tpu.memory_space<hbm>>
      %dma_wait3A_78 = tpu.memref_squeeze %dma_wait3A_77 : memref<1x640x128xf32, #tpu.memory_space<hbm>> -> memref<640x128xf32, #tpu.memory_space<hbm>>
      %dma_wait3A_79 = arith.constant 0 : i32
      %dma_wait3A_80 = tpu.memref_slice %arg10[%mul3A_2, %dma_wait3A_79] : memref<10240x128xf32, #tpu.memory_space<vmem_shared>> -> memref<640x128xf32, #tpu.memory_space<vmem_shared>>
      tpu.wait_dma2 semaphore(%run_scoped3A_70 : memref<!tpu.dma_semaphore, #tpu.memory_space<semaphore_mem>>) src(%dma_wait3A_80 : memref<640x128xf32, #tpu.memory_space<vmem_shared>>) dst(%dma_wait3A_78 : memref<640x128xf32, #tpu.memory_space<hbm>>)
      tpu.yield
    }) : () -> ()
    return
  }
}

module attributes {stable_mosaic.version = 14 : i64} {
  func.func @_tc_norms_body(%arg0: memref<2x2x10240x1xf32, #tpu.memory_space<vmem>>, %arg1: memref<10000x128xf32, #tpu.memory_space<vmem>>, %arg2: memref<10000x128xf32, #tpu.memory_space<vmem>>, %arg3: memref<10000x1xf32, #tpu.memory_space<vmem>>, %arg4: memref<10000x1xf32, #tpu.memory_space<vmem>>) attributes {dimension_semantics = [], scalar_prefetch = 0 : i64, scratch_operands = 0 : i64, tpu.core_type = #tpu.core_type<tc>} {
    %get3A = arith.constant 0 : index
    %get3A_0 = arith.constant 0 : index
    %get3A_1 = arith.constant 0 : index
    %get3A_2 = arith.constant 0 : index
    %get3A_3 = vector.load %arg0[%get3A, %get3A_0, %get3A_1, %get3A_2] : memref<2x2x10240x1xf32, #tpu.memory_space<vmem>>, vector<1x1x10240x1xf32>
    %get3A_4 = vector.shape_cast %get3A_3 : vector<1x1x10240x1xf32> to vector<10240x1xf32>
    %get3A_5 = arith.constant 1 : index
    %get3A_6 = arith.constant 0 : index
    %get3A_7 = arith.constant 0 : index
    %get3A_8 = arith.constant 0 : index
    %get3A_9 = vector.load %arg0[%get3A_5, %get3A_6, %get3A_7, %get3A_8] : memref<2x2x10240x1xf32, #tpu.memory_space<vmem>>, vector<1x1x10240x1xf32>
    %get3A_10 = vector.shape_cast %get3A_9 : vector<1x1x10240x1xf32> to vector<10240x1xf32>
    %add3A = arith.addf %get3A_4, %get3A_10 : vector<10240x1xf32>
    %get3A_11 = arith.constant 0 : index
    %get3A_12 = arith.constant 1 : index
    %get3A_13 = arith.constant 0 : index
    %get3A_14 = arith.constant 0 : index
    %get3A_15 = vector.load %arg0[%get3A_11, %get3A_12, %get3A_13, %get3A_14] : memref<2x2x10240x1xf32, #tpu.memory_space<vmem>>, vector<1x1x10240x1xf32>
    %get3A_16 = vector.shape_cast %get3A_15 : vector<1x1x10240x1xf32> to vector<10240x1xf32>
    %get3A_17 = arith.constant 1 : index
    %get3A_18 = arith.constant 1 : index
    %get3A_19 = arith.constant 0 : index
    %get3A_20 = arith.constant 0 : index
    %get3A_21 = vector.load %arg0[%get3A_17, %get3A_18, %get3A_19, %get3A_20] : memref<2x2x10240x1xf32, #tpu.memory_space<vmem>>, vector<1x1x10240x1xf32>
    %get3A_22 = vector.shape_cast %get3A_21 : vector<1x1x10240x1xf32> to vector<10240x1xf32>
    %add3A_23 = arith.addf %get3A_16, %get3A_22 : vector<10240x1xf32>
    %max3A = arith.constant 1.000000e+00 : f32
    %max3A_24 = vector.broadcast %max3A : f32 to vector<10240x1xf32>
    %max3A_25 = arith.maximumf %add3A, %max3A_24 : vector<10240x1xf32>
    %rsqrt3A = math.rsqrt %max3A_25 : vector<10240x1xf32>
    %slice3A = vector.extract_strided_slice %rsqrt3A {offsets = [0, 0], sizes = [10000, 1], strides = [1, 1]} : vector<10240x1xf32> to vector<10000x1xf32>
    %max3A_26 = arith.constant 1.000000e+00 : f32
    %max3A_27 = vector.broadcast %max3A_26 : f32 to vector<10240x1xf32>
    %max3A_28 = arith.maximumf %add3A_23, %max3A_27 : vector<10240x1xf32>
    %rsqrt3A_29 = math.rsqrt %max3A_28 : vector<10240x1xf32>
    %slice3A_30 = vector.extract_strided_slice %rsqrt3A_29 {offsets = [0, 0], sizes = [10000, 1], strides = [1, 1]} : vector<10240x1xf32> to vector<10000x1xf32>
    %get3A_31 = arith.constant 0 : index
    %get3A_32 = arith.constant 0 : index
    %get3A_33 = vector.load %arg1[%get3A_31, %get3A_32] : memref<10000x128xf32, #tpu.memory_space<vmem>>, vector<10000x128xf32>
    %mul3A = vector.broadcast %slice3A : vector<10000x1xf32> to vector<10000x128xf32>
    %mul3A_34 = arith.mulf %get3A_33, %mul3A : vector<10000x128xf32>
    %swap3A = arith.constant 0 : index
    %swap3A_35 = arith.constant 0 : index
    %swap3A_36 = vector.load %arg2[%swap3A, %swap3A_35] : memref<10000x128xf32, #tpu.memory_space<vmem>>, vector<10000x128xf32>
    tpu.vector_store %arg2[%swap3A, %swap3A_35], %mul3A_34 {strides = array<i32>} : memref<10000x128xf32, #tpu.memory_space<vmem>>, vector<10000x128xf32>,
    %swap3A_37 = arith.constant 0 : index
    %swap3A_38 = arith.constant 0 : index
    %swap3A_39 = vector.load %arg3[%swap3A_37, %swap3A_38] : memref<10000x1xf32, #tpu.memory_space<vmem>>, vector<10000x1xf32>
    tpu.vector_store %arg3[%swap3A_37, %swap3A_38], %slice3A {strides = array<i32>} : memref<10000x1xf32, #tpu.memory_space<vmem>>, vector<10000x1xf32>,
    %swap3A_40 = arith.constant 0 : index
    %swap3A_41 = arith.constant 0 : index
    %swap3A_42 = vector.load %arg4[%swap3A_40, %swap3A_41] : memref<10000x1xf32, #tpu.memory_space<vmem>>, vector<10000x1xf32>
    tpu.vector_store %arg4[%swap3A_40, %swap3A_41], %slice3A_30 {strides = array<i32>} : memref<10000x1xf32, #tpu.memory_space<vmem>>, vector<10000x1xf32>,
    return
  }
}

module attributes {stable_mosaic.version = 14 : i64} {
  func.func @_tc_layer1_body(%arg0: memref<2x10240x128xf32, #tpu.memory_space<vmem>>, %arg1: memref<10000x1xf32, #tpu.memory_space<vmem>>, %arg2: memref<10000x1xf32, #tpu.memory_space<vmem>>, %arg3: memref<128x128xf32, #tpu.memory_space<vmem>>, %arg4: memref<1x128xf32, #tpu.memory_space<vmem>>, %arg5: memref<10000x128xf32, #tpu.memory_space<vmem>>, %arg6: memref<1x128xf32, #tpu.memory_space<vmem>>) attributes {dimension_semantics = [], scalar_prefetch = 0 : i64, scratch_operands = 0 : i64, tpu.core_type = #tpu.core_type<tc>} {
    %get3A = arith.constant 0 : index
    %get3A_0 = arith.constant 0 : index
    %get3A_1 = arith.constant 0 : index
    %get3A_2 = vector.load %arg0[%get3A, %get3A_0, %get3A_1] : memref<2x10240x128xf32, #tpu.memory_space<vmem>>, vector<1x10240x128xf32>
    %get3A_3 = vector.shape_cast %get3A_2 : vector<1x10240x128xf32> to vector<10240x128xf32>
    %get3A_4 = arith.constant 1 : index
    %get3A_5 = arith.constant 0 : index
    %get3A_6 = arith.constant 0 : index
    %get3A_7 = vector.load %arg0[%get3A_4, %get3A_5, %get3A_6] : memref<2x10240x128xf32, #tpu.memory_space<vmem>>, vector<1x10240x128xf32>
    %get3A_8 = vector.shape_cast %get3A_7 : vector<1x10240x128xf32> to vector<10240x128xf32>
    %add3A = arith.addf %get3A_3, %get3A_8 : vector<10240x128xf32>
    %slice3A = vector.extract_strided_slice %add3A {offsets = [0, 0], sizes = [10000, 128], strides = [1, 1]} : vector<10240x128xf32> to vector<10000x128xf32>
    %get3A_9 = arith.constant 0 : index
    %get3A_10 = arith.constant 0 : index
    %get3A_11 = vector.load %arg1[%get3A_9, %get3A_10] : memref<10000x1xf32, #tpu.memory_space<vmem>>, vector<10000x1xf32>
    %mul3A = vector.broadcast %get3A_11 : vector<10000x1xf32> to vector<10000x128xf32>
    %mul3A_12 = arith.mulf %slice3A, %mul3A : vector<10000x128xf32>
    %get3A_13 = arith.constant 0 : index
    %get3A_14 = arith.constant 0 : index
    %get3A_15 = vector.load %arg3[%get3A_13, %get3A_14] : memref<128x128xf32, #tpu.memory_space<vmem>>, vector<128x128xf32>
    %dot_general3A = arith.constant dense<0.000000e+00> : vector<10000x128xf32>
    %dot_general3A_16 = tpu.matmul %mul3A_12, %get3A_15, %dot_general3A {dimension_numbers = #tpu.dot_dimension_numbers<[1], [0], [0], [1], [0, 0, 1, 1], [], []>, transpose_lhs_hint = false} : vector<10000x128xf32>, vector<128x128xf32>, vector<10000x128xf32> -> vector<10000x128xf32>
    %get3A_17 = arith.constant 0 : index
    %get3A_18 = arith.constant 0 : index
    %get3A_19 = vector.load %arg4[%get3A_17, %get3A_18] : memref<1x128xf32, #tpu.memory_space<vmem>>, vector<1x128xf32>
    %add3A_20 = vector.broadcast %get3A_19 : vector<1x128xf32> to vector<10000x128xf32>
    %add3A_21 = arith.addf %dot_general3A_16, %add3A_20 : vector<10000x128xf32>
    %max3A = arith.constant 0.000000e+00 : f32
    %max3A_22 = vector.broadcast %max3A : f32 to vector<10000x128xf32>
    %max3A_23 = arith.maximumf %add3A_21, %max3A_22 : vector<10000x128xf32>
    %reduce_sum3A = arith.constant dense<0.000000e+00> : vector<128xf32>
    %reduce_sum3A_24 = vector.multi_reduction <add>, %max3A_23, %reduce_sum3A [0] : vector<10000x128xf32> to vector<128xf32>
    %broadcast_in_dim3A = vector.shape_cast %reduce_sum3A_24 : vector<128xf32> to vector<1x128xf32>
    %mul3A_25 = arith.constant 9.99999974E-5 : f32
    %mul3A_26 = vector.broadcast %mul3A_25 : f32 to vector<1x128xf32>
    %mul3A_27 = arith.mulf %broadcast_in_dim3A, %mul3A_26 : vector<1x128xf32>
    %swap3A = arith.constant 0 : index
    %swap3A_28 = arith.constant 0 : index
    %swap3A_29 = vector.load %arg6[%swap3A, %swap3A_28] : memref<1x128xf32, #tpu.memory_space<vmem>>, vector<1x128xf32>
    tpu.vector_store %arg6[%swap3A, %swap3A_28], %mul3A_27 {strides = array<i32>} : memref<1x128xf32, #tpu.memory_space<vmem>>, vector<1x128xf32>,
    %get3A_30 = arith.constant 0 : index
    %get3A_31 = arith.constant 0 : index
    %get3A_32 = vector.load %arg2[%get3A_30, %get3A_31] : memref<10000x1xf32, #tpu.memory_space<vmem>>, vector<10000x1xf32>
    %mul3A_33 = vector.broadcast %get3A_32 : vector<10000x1xf32> to vector<10000x128xf32>
    %mul3A_34 = arith.mulf %max3A_23, %mul3A_33 : vector<10000x128xf32>
    %swap3A_35 = arith.constant 0 : index
    %swap3A_36 = arith.constant 0 : index
    %swap3A_37 = vector.load %arg5[%swap3A_35, %swap3A_36] : memref<10000x128xf32, #tpu.memory_space<vmem>>, vector<10000x128xf32>
    tpu.vector_store %arg5[%swap3A_35, %swap3A_36], %mul3A_34 {strides = array<i32>} : memref<10000x128xf32, #tpu.memory_space<vmem>>, vector<10000x128xf32>,
    return
  }
}

module attributes {stable_mosaic.version = 14 : i64} {
  func.func @_tc_layer2_body(%arg0: memref<2x10240x128xf32, #tpu.memory_space<vmem>>, %arg1: memref<10000x1xf32, #tpu.memory_space<vmem>>, %arg2: memref<128x128xf32, #tpu.memory_space<vmem>>, %arg3: memref<1x128xf32, #tpu.memory_space<vmem>>, %arg4: memref<1x128xf32, #tpu.memory_space<vmem>>, %arg5: memref<1x128xf32, #tpu.memory_space<vmem>>) attributes {dimension_semantics = [], scalar_prefetch = 0 : i64, scratch_operands = 0 : i64, tpu.core_type = #tpu.core_type<tc>} {
    %get3A = arith.constant 0 : index
    %get3A_0 = arith.constant 0 : index
    %get3A_1 = arith.constant 0 : index
    %get3A_2 = vector.load %arg0[%get3A, %get3A_0, %get3A_1] : memref<2x10240x128xf32, #tpu.memory_space<vmem>>, vector<1x10240x128xf32>
    %get3A_3 = vector.shape_cast %get3A_2 : vector<1x10240x128xf32> to vector<10240x128xf32>
    %get3A_4 = arith.constant 1 : index
    %get3A_5 = arith.constant 0 : index
    %get3A_6 = arith.constant 0 : index
    %get3A_7 = vector.load %arg0[%get3A_4, %get3A_5, %get3A_6] : memref<2x10240x128xf32, #tpu.memory_space<vmem>>, vector<1x10240x128xf32>
    %get3A_8 = vector.shape_cast %get3A_7 : vector<1x10240x128xf32> to vector<10240x128xf32>
    %add3A = arith.addf %get3A_3, %get3A_8 : vector<10240x128xf32>
    %slice3A = vector.extract_strided_slice %add3A {offsets = [0, 0], sizes = [10000, 128], strides = [1, 1]} : vector<10240x128xf32> to vector<10000x128xf32>
    %get3A_9 = arith.constant 0 : index
    %get3A_10 = arith.constant 0 : index
    %get3A_11 = vector.load %arg1[%get3A_9, %get3A_10] : memref<10000x1xf32, #tpu.memory_space<vmem>>, vector<10000x1xf32>
    %mul3A = vector.broadcast %get3A_11 : vector<10000x1xf32> to vector<10000x128xf32>
    %mul3A_12 = arith.mulf %slice3A, %mul3A : vector<10000x128xf32>
    %get3A_13 = arith.constant 0 : index
    %get3A_14 = arith.constant 0 : index
    %get3A_15 = vector.load %arg2[%get3A_13, %get3A_14] : memref<128x128xf32, #tpu.memory_space<vmem>>, vector<128x128xf32>
    %dot_general3A = arith.constant dense<0.000000e+00> : vector<10000x128xf32>
    %dot_general3A_16 = tpu.matmul %mul3A_12, %get3A_15, %dot_general3A {dimension_numbers = #tpu.dot_dimension_numbers<[1], [0], [0], [1], [0, 0, 1, 1], [], []>, transpose_lhs_hint = false} : vector<10000x128xf32>, vector<128x128xf32>, vector<10000x128xf32> -> vector<10000x128xf32>
    %get3A_17 = arith.constant 0 : index
    %get3A_18 = arith.constant 0 : index
    %get3A_19 = vector.load %arg3[%get3A_17, %get3A_18] : memref<1x128xf32, #tpu.memory_space<vmem>>, vector<1x128xf32>
    %add3A_20 = vector.broadcast %get3A_19 : vector<1x128xf32> to vector<10000x128xf32>
    %add3A_21 = arith.addf %dot_general3A_16, %add3A_20 : vector<10000x128xf32>
    %max3A = arith.constant 0.000000e+00 : f32
    %max3A_22 = vector.broadcast %max3A : f32 to vector<10000x128xf32>
    %max3A_23 = arith.maximumf %add3A_21, %max3A_22 : vector<10000x128xf32>
    %get3A_24 = arith.constant 0 : index
    %get3A_25 = arith.constant 0 : index
    %get3A_26 = vector.load %arg4[%get3A_24, %get3A_25] : memref<1x128xf32, #tpu.memory_space<vmem>>, vector<1x128xf32>
    %reduce_sum3A = arith.constant dense<0.000000e+00> : vector<128xf32>
    %reduce_sum3A_27 = vector.multi_reduction <add>, %max3A_23, %reduce_sum3A [0] : vector<10000x128xf32> to vector<128xf32>
    %broadcast_in_dim3A = vector.shape_cast %reduce_sum3A_27 : vector<128xf32> to vector<1x128xf32>
    %mul3A_28 = arith.constant 9.99999974E-5 : f32
    %mul3A_29 = vector.broadcast %mul3A_28 : f32 to vector<1x128xf32>
    %mul3A_30 = arith.mulf %broadcast_in_dim3A, %mul3A_29 : vector<1x128xf32>
    %mul3A_31 = arith.constant 2.000000e+00 : f32
    %mul3A_32 = vector.broadcast %mul3A_31 : f32 to vector<1x128xf32>
    %mul3A_33 = arith.mulf %mul3A_32, %mul3A_30 : vector<1x128xf32>
    %add3A_34 = arith.addf %get3A_26, %mul3A_33 : vector<1x128xf32>
    %swap3A = arith.constant 0 : index
    %swap3A_35 = arith.constant 0 : index
    %swap3A_36 = vector.load %arg5[%swap3A, %swap3A_35] : memref<1x128xf32, #tpu.memory_space<vmem>>, vector<1x128xf32>
    tpu.vector_store %arg5[%swap3A, %swap3A_35], %add3A_34 {strides = array<i32>} : memref<1x128xf32, #tpu.memory_space<vmem>>, vector<1x128xf32>,
    return
  }
}

</mosaic_0001>

<sc_bundles>
// kernel: kernel.11.cloned.1.call-start
scs
__scs_entry_jumppad:
0x0: {  	(pc) =	sbr.rel $0x88, $3  }
0x1: {  	(tag) =	ssettag $0x0;
	lr =	simm.s32 $0x1  }
0x2: {  	[smem:$0x3F9B] =	sst lr;
	_ =	strace $0xD0000000  }
0x3: {  	_ = 	snop  }
0x4: {  	_ = 	snop  }
0x5: {  	_ = 	snop  }
0x6: {  	_ = 	snop  }
0x7: {  	_ = 	snop  }
__scs_overlays_trampoline_lowered:
0x8: {  	[smem:$0x3FAA] =	sst s0  }
0x9: {  	[smem:$0x3FAB] =	sst s1  }
0xa: {  	[smem:$0x3FAC] =	sst s2  }
0xb: {  	[smem:$0x3FAD] =	sst s3  }
0xc: {  	[smem:$0x3FAE] =	sst s4  }
0xd: {  	[smem:$0x3FAF] =	sst s5  }
0xe: {  	[smem:$0x3FB0] =	sst s6  }
0xf: {  	[smem:$0x3FB1] =	sst s7  }
0x10: {  	[smem:$0x3FB2] =	sst s8  }
0x11: {  	[smem:$0x3FB3] =	sst s9;
	s0 =	simm.s32 @!p0 $0x0  }
0x12: {  	s1 =	sld [smem:$0x3F99];
	s0 =	simm.s32 @p0 $0x1  }
0x13: {  	[smem:$0x3FB4] =	sst s0;
	s0 =	simm.s32 @!p1 $0x0  }
0x14: {  	s2 =	sld [smem:$0x3F98];
	s0 =	simm.s32 @p1 $0x1  }
0x15: {  	[smem:$0x3FB5] =	sst s0;
	s0 =	simm.s32 @!p2 $0x0  }
0x16: {  	s3 =	sld [smem:$0x3FDB];
	s0 =	simm.s32 @p2 $0x1  }
0x17: {  	s4 =	simm.s32 $0x1BF5;
	[smem:$0x3FB7] =	sst s0  }
0x18: {  	s0 =	sld [smem:$0x3F9A];
	_ =	swait.ge [sflag:s4], $0x0  }
0x19: {  	s7 =	sld [smem:$0x3F9B]  }
0x1a: {  	s8 =	sadd.s32 $0xFFFFE003, lr  }
0x1b: {  	s9 =	sadd.s32 $0xFFFFFEF7, lr;
	s5 =	simm.s32 $0xFFFFFFFF;
	p2 =	slt.u32 s8, $0xFFFFF086  }
0x1c: {  	p1 =	slt.u32 s9, $0xF7A;
	s5 =	simm.s32 @!p2 $0x0  }
0x1d: {  	s5 =	simm.s32 @p1 $0x1;
	p0 =	seq.s32 s7, s2  }
0x1e: {  	s7 =	smul.u32 @!p0 $0xF7A, s2;
	p2 =	seq.s32 @!p0 s5, $0x0  }
0x1f: {  	s9 =	smul.u32 $0xF7A, s1;
	s8 =	simm.s32 @!p0 $0x1BF5;
	p2 =	por !p2, p0  }
0x20: {  	[sflag:s8] =	ssyncset.s32 @!p0 $0xFFFFF086;
	s6 =	sadd.s32 @!p0 s3, s7;
	s7 =	simm.s32 @!p0 $0x108  }
0x21: {  	s3 =	sadd.s32 s3, s9;
	s6 =	sadd.s32 @!p0 $0x88, s6;
	s7 =	simm.s32 @p2 $0x1082  }
0x22: {  	[simem:s7], [sflag:s8] =	dma.local @!p0 [hbm:s6], $0xF7A  }
0x23: {  	s9 =	sor.u32 $0xD0000000, s2;
	s6 =	simm.s32 $0x108;
	_ =	swait.ge @!p0 [sflag:s8], $0x0  }
0x24: {  	s3 =	sadd.s32 $0x88, s3;
	s6 =	simm.s32 @!p1 $0x1082;
	[sflag:s4] =	ssyncset.s32 $0xFFFFF086  }
0x25: {  	[simem:s6], [sflag:s4] =	dma.local [hbm:s3], $0xF7A  }
0x26: {  	[smem:$0x3F9B] =	sst s1;
	(tag) =	ssettag s2;
	_ =	strace s9  }
0x27: {  	s1 =	sld [smem:$0x3FAB]  }
0x28: {  	s2 =	sld [smem:$0x3FAC]  }
0x29: {  	s4 =	sld [smem:$0x3FAE]  }
0x2a: {  	p0 =	seq.s32 s5, $0x0;
	s5 =	sld [smem:$0x3FAF]  }
0x2b: {  	s6 =	sld [smem:$0x3FB0]  }
0x2c: {  	s7 =	sld [smem:$0x3FB1]  }
0x2d: {  	s3 =	simm.s32 $0x108;
	s8 =	sld [smem:$0x3FB2]  }
0x2e: {  	s3 =	simm.s32 @!p0 $0x1082;
	s9 =	sld [smem:$0x3FB3]  }
0x2f: {  	lr =	sadd.s32 s0, s3;
	s0 =	sld [smem:$0x3FAA]  }
0x30: {  	s3 =	sld [smem:$0x3FAD]  }
0x31: {  	[smem:$0x3FB6] =	sst s10  }
0x32: {  	s10 =	sld [smem:$0x3FB4];
	_ =	sdelay $0x3  }
0x33: {  	p0 =	seq.s32 s10, $0x1;
	s10 =	sld [smem:$0x3FB6];
	_ =	sdelay $0x3  }
0x34: {  	[smem:$0x3FB6] =	sst s10  }
0x35: {  	s10 =	sld [smem:$0x3FB5];
	_ =	sdelay $0x3  }
0x36: {  	p1 =	seq.s32 s10, $0x1;
	s10 =	sld [smem:$0x3FB6];
	_ =	sdelay $0x3  }
0x37: {  	[smem:$0x3FB6] =	sst s10  }
0x38: {  	s10 =	sld [smem:$0x3FB7]  }
0x39: {  	_ = 	snop;
	(pc) =	sbr.ind lr, $3  }
0x3a: {  	_ = 	snop  }
0x3b: {  	_ = 	snop  }
0x3c: {  	p2 =	seq.s32 s10, $0x1;
	s10 =	sld [smem:$0x3FB6]  }
0x3d: {  	_ =	shalt  }
0x3e: {  	_ =	shalt  }
0x3f: {  	_ =	shalt  }
0x40: {  	_ =	shalt  }
0x41: {  	_ =	shalt  }
0x42: {  	_ =	shalt  }
0x43: {  	_ =	shalt  }
0x44: {  	_ =	shalt  }
0x45: {  	_ =	shalt  }
0x46: {  	_ =	shalt  }
0x47: {  	_ =	shalt  }
0x48: {  	_ =	shalt  }
0x49: {  	_ =	shalt  }
0x4a: {  	_ =	shalt  }
0x4b: {  	_ =	shalt  }
0x4c: {  	_ =	shalt  }
0x4d: {  	_ =	shalt  }
0x4e: {  	_ =	shalt  }
0x4f: {  	_ =	shalt  }
0x50: {  	_ =	shalt  }
0x51: {  	_ =	shalt  }
0x52: {  	_ =	shalt  }
0x53: {  	_ =	shalt  }
0x54: {  	_ =	shalt  }
0x55: {  	_ =	shalt  }
0x56: {  	_ =	shalt  }
0x57: {  	_ =	shalt  }
0x58: {  	_ =	shalt  }
0x59: {  	_ =	shalt  }
0x5a: {  	_ =	shalt  }
0x5b: {  	_ =	shalt  }
0x5c: {  	_ =	shalt  }
0x5d: {  	_ =	shalt  }
0x5e: {  	_ =	shalt  }
0x5f: {  	_ =	shalt  }
0x60: {  	_ =	shalt  }
0x61: {  	_ =	shalt  }
0x62: {  	_ =	shalt  }
0x63: {  	_ =	shalt  }
0x64: {  	_ =	shalt  }
0x65: {  	_ =	shalt  }
0x66: {  	_ =	shalt  }
0x67: {  	_ =	shalt  }
0x68: {  	_ =	shalt  }
0x69: {  	_ =	shalt  }
0x6a: {  	_ =	shalt  }
0x6b: {  	_ =	shalt  }
0x6c: {  	_ =	shalt  }
0x6d: {  	_ =	shalt  }
0x6e: {  	_ =	shalt  }
0x6f: {  	_ =	shalt  }
0x70: {  	_ =	shalt  }
0x71: {  	_ =	shalt  }
0x72: {  	_ =	shalt  }
0x73: {  	_ =	shalt  }
0x74: {  	_ =	shalt  }
0x75: {  	_ =	shalt  }
0x76: {  	_ =	shalt  }
0x77: {  	_ =	shalt  }
0x78: {  	_ =	shalt  }
0x79: {  	_ =	shalt  }
0x7a: {  	_ =	shalt  }
0x7b: {  	_ =	shalt  }
0x7c: {  	_ =	shalt  }
0x7d: {  	_ =	shalt  }
0x7e: {  	_ =	shalt  }
0x7f: {  	_ =	shalt  }
0x80: {  	_ =	shalt  }
0x81: {  	_ =	shalt  }
0x82: {  	_ =	shalt  }
0x83: {  	_ =	shalt  }
0x84: {  	_ =	shalt  }
0x85: {  	_ =	shalt  }
0x86: {  	_ =	shalt  }
0x87: {  	_ =	shalt  }
.Lfunc_end0:
.L_simem_size_0:
called_computation.1_lowered:
.L_overlay_start_0:
0x88: {  	s2 =	sld [smem:$0x3FD9]  }
0x89: {  	s3 =	sld [smem:$0x3FFE];
	_ =	sdelay $0x1  }
0x8a: {  	s1 =	srdreg.scid  }
0x8b: {  	s0 =	sand.u32 $0x1, s1  }
0x8c: {  	s16 =	sshll.u32 s0, $0xA;
	s2 =	sadd.s32 s3, s2  }
0x8d: {  	s2 =	sadd.s32 s2, s16  }
0x8e: {  	[smem:$0x3FC2] =	sst s2  }
0x8f: {  	_ = 	snop  }
0x90: {  	(tm) =	ssettm $0x1  }
0x91: {  	s17 =	sld [smem:$0x3FFB];
	_ =	sdelay $0x3  }
0x92: {  	_ =	strace s17  }
0x93: {  	s2 =	sld [smem:$0x3FFC];
	_ =	sdelay $0x3  }
0x94: {  	_ =	strace s2  }
0x95: {  	s2 =	sld [smem:$0x3FFD];
	_ =	sdelay $0x3  }
0x96: {  	_ =	strace s2  }
0x97: {  	_ =	strace $0x8FFFFFFF  }
0x98: {  	s18 =	sld [smem:$0x3FDB];
	_ =	sdelay $0x1  }
0x99: {  	s19 =	simm.s32 $_scs_section_size  }
0x9a: {  	s4 =	simm.s32 $_size__tile_overlayer_lowered;
	s5 =	simm.s32 $_tile_overlayer_lowered  }
0x9b: {  	s22 =	simm.s32 $0x1BFF;
	s21 =	sshll.u32 s5, $0x1;
	s2 =	sadd.s32 s19, s18  }
0x9c: {  	s6 =	simm.s32 $0x0;
	s20 =	sshll.u32 s4, $0x1;
	s4 =	sadd.s32 s21, s2  }
0x9d: {  	[timem:s6], [sflag:s22] =	dma.local [hbm:s4], s20  }
0x9e: {  	_ =	swait.ge [sflag:s22], s20  }
0x9f: {  	s3 =	ssub.s32 $0x0, s20;
	[sflag:s22] =	ssyncset.done $0x0  }
0xa0: {  	[sflag:s22] =	ssyncadd.s32 s3;
	_ =	sdelay $0x1  }
0xa1: {  	s23 =	simm.s32 $0x1B8B  }
0xa2: {  	_ =	swait.ge [sflag:s23], $0x1  }
0xa3: {  	[sflag:s23] =	ssyncset.done $0x0  }
0xa4: {  	s25 =	simm.s32 $0x1B8E;
	s24 =	sld [smem:$0x3FFE];
	[sflag:s23] =	ssyncadd.s32 $0xFFFFFFFF  }
0xa5: {  	s26 =	simm.s32 $execute0_lowered;
	[smem:$0x3FD2] =	sst s25  }
0xa6: {  	s4 =	sshll.u32 s26, $0x1;
	_ =	strace $0x80000049;
	[dreg:$0x1] =	wrdreg $0xFFFFFFFF  }
0xa7: {  	s28 =	simm.s32 $_size_execute0_lowered;
	s2 =	sadd.s32 s2, s4;
	[dreg:$0x0] =	wrdreg $0x0  }
0xa8: {  	s4 =	sshll.u32 s28, $0x1;
	[dreg:$0x2] =	wrdreg s2  }
0xa9: {  	[dreg:$0x3] =	wrdreg s4  }
0xaa: {  	[dreg:$0x4] =	wrdreg $0xC0  }
0xab: {  	_ =	task [dreg:s6], $0x5FFFF  }
0xac: {  	[dreg:$0x1] =	wrdreg $0xFFFFFFFF  }
0xad: {  	[dreg:$0x0] =	wrdreg $0x60  }
0xae: {  	[dreg:$0x2] =	wrdreg s24  }
0xaf: {  	[dreg:$0x3] =	wrdreg $0xB8000  }
0xb0: {  	[dreg:$0x4] =	wrdreg $0x9  }
0xb1: {  	_ =	task.clear_ibuf [dreg:s6], $0x5FFFF;
	_ =	strace $0x90000049  }
0xb2: {  	s29 =	simm.s32 $0x9;
	_ =	strace $0x8000004B  }
0xb3: {  	_ =	swait.ge [sflag:s29], $0x1  }
0xb4: {  	[sflag:s29] =	ssyncadd.s32 $0xFFFFFFFF  }
0xb5: {  	_ =	strace $0x9000004B  }
0xb6: {  	_ =	sfence  }
0xb7: {  	s30 =	sld [smem:$0x0];
	_ =	sdelay $0x2  }
0xb8: {  	s31 =	sshll.u32 s1, $0xD;
	s1 =	sshrl.u32 s1, $0x2  }
0xb9: {  	s3 =	sand.u32 $0x4000, s31;
	s1 =	sadd.s32 s1, s30  }
0xba: {  	s0 =	sor.u32 s3, s0;
	s1 =	sshll.u32 s1, $0x11  }
0xbb: {  	s0 =	sor.u32 s1, s0  }
0xbc: {  	s0 =	sadd.s32 $0x8F2B, s0  }
0xbd: {  	[sflag:s0] =	ssyncadd.remote.s32 $0x1  }
0xbe: {  	_ =	sfence.sel $0xFFFF  }
0xbf: {  	[dreg:$0x0] =	wrdreg $0xFFFFFFFF;
	(pc) =	sbr.abs _section_cstart, $3  }
0xc0: {  	[dreg:$0x1] =	wrdreg $0xFFFFFFFF  }
0xc1: {  	_ =	task.clear_ibuf [dreg:s6], $0x2FFFF;
	_ =	strace $0x9FFFFFFF  }
0xc2: {  	(tm) =	ssettm $0x7FFFFFFF  }
0xc3: {  	_ =	shalt  }
tec
execute0_lowered:
.L_overlay_start_1:
0x0: {  	(tag) =	ssettag $0x1  }
0x1: {  	s0 =	rddreg [dreg:$0x0]  }
0x2: {  	s1 =	rddreg [dreg:$0x1];
	s3 =	simm.s32 $0x0;
	s2 =	srdreg.scid  }
0x3: {  	s11 =	stileid.u32;
	[smem:$0x7FF] =	sst s3  }
0x4: {  	s2 =	sand.u32 $0x1, s2;
	s8 =	smul.u32 $0x14000, s11;
	s4 =	sadd.s32 $0x23400, s0  }
0x5: {  	s5 =	sadd.s32 $0x37400, s0;
	s9 =	sshll.u32 s11, $0x1;
	s6 =	sadd.s32 $0x4B400, s0  }
0x6: {  	s19 =	sadd.s32 $0x1E00, s0;
	s21 =	sshll.u32 s11, $0x6;
	s11 =	smul.u32 $0x50000, s11  }
0x7: {  	s7 =	smul.u32 $0x140000, s2;
	_ =	strace $0x8000004A;
	[dreg:$0x3] =	wrdreg s19  }
0x8: {  	s17 =	sor.u32 s2, s9;
	s2 =	ssub.s32 $0x2, s2;
	[dreg:$0x4] =	wrdreg s21  }
0x9: {  	s19 =	simm.s32 $0x5;
	s20 =	sshrl.u32 s2, $0x1;
	s24 =	sshrl.u32 s11, $0x2  }
0xa: {  	s7 =	sadd.s32 s8, s7;
	s8 =	smul.u32 $0x5000, s17;
	s2 =	ssub.s32 s2, s20  }
0xb: {  	s25 =	sadd.s32 s24, s1;
	s18 =	sshrl.u32 s7, $0x3;
	s7 =	sor.u32 $0x1C04, s21  }
0xc: {  	s2 =	smax.u32 s2, $0x1;
	s26 =	sadd.s32 $0x5000, s25;
	[dreg:$0x5] =	wrdreg s7  }
0xd: {  	s28 =	sadd.s32 $0xF000, s25;
	[dreg:$0x9] =	wrdreg s2;
	s29 =	sshrl.u32 s26, $0x3  }
0xe: {  	s0 =	sadd.s32 s18, s0;
	s31 =	sshrl.u32 s28, $0x3;
	[dreg:$0xb] =	wrdreg s29  }
0xf: {  	s10 =	sshrl.u32 s8, $0x3;
	s7 =	sshrl.u32 s25, $0x3;
	[dreg:$0xd] =	wrdreg s31  }
.Ltmp0:
0x10: {  	s22 =	sadd.s32 s4, s10;
	[dreg:$0xa] =	wrdreg s7;
	(pc) =	sbr.rel .LBB2_1-.Ltmp0, $4  }
0x11: {  	s12 =	sadd.s32 $0x1000, s8;
	s23 =	sadd.s32 s5, s10;
	[dreg:$0x6] =	wrdreg s22  }
0x12: {  	s8 =	sadd.s32 $0xA000, s25;
	s0 =	sadd.s32 $0x72600, s0;
	[dreg:$0x7] =	wrdreg s23  }
0x13: {  	s21 =	simm.s32 $0x4;
	s30 =	sshrl.u32 s8, $0x3;
	[dreg:$0x8] =	wrdreg s0  }
0x14: {  	s26 =	simm.s32 $0x0;
	[dreg:$0xc] =	wrdreg s30;
	s22 =	simm.s32 $0x50  }
.LBB2_8:
0x15: {  	s0 =	simm.s32 $0x2  }
0x16: {  	_ =	swait.ge [sflag:s0], $0x2800  }
0x17: {  	[sflag:s0] =	ssyncset.done $0x0  }
0x18: {  	[sflag:s0] =	ssyncadd.s32 $0xFFFFD800  }
0x19: {  	[bflag:$0x0] =	sbarrier.arrive $0xFFFF  }
0x1a: {  	s30 =	rddreg [dreg:$0x4]  }
0x1b: {  	s2 =	rddreg [dreg:$0x8]  }
0x1c: {  	s7 =	rddreg [dreg:$0xa];
	s0 =	sor.u32 $0x1C05, s30  }
0x1d: {  	[hbm:s2], [sflag:s0] =	dma.local [spmem:s7], $0x2800  }
0x1e: {  	_ =	swait.ge [sflag:s19], $0x2800  }
0x1f: {  	s26 =	sadd.s32 $0x1, s26;
	s31 =	rddreg [dreg:$0x9]  }
0x20: {  	p0 =	sne.s32 s26, s31  }
.Ltmp1:
0x21: {  	_ = 	snop;
	(pc) =	sbr.rel @!p0 .LBB2_9-.Ltmp1, $3  }
0x22: {  	_ =	sdelay $0x1  }
0x23: {  	[sflag:s19] =	ssyncset.done $0x0  }
0x24: {  	[sflag:s19] =	ssyncadd.s32 $0xFFFFD800  }
.LBB2_1:
0x25: {  	s0 =	rddreg [dreg:$0x3]  }
0x26: {  	s2 =	rddreg [dreg:$0x5]  }
0x27: {  	[spmem:s7], [sflag:s2] =	dma.local [hbm:s0], $0xA00  }
0x28: {  	s7 =	rddreg [dreg:$0xb]  }
0x29: {  	[spmem:s7], [sflag:s2] =	dma.local [hbm:s0], $0xA00  }
0x2a: {  	s7 =	rddreg [dreg:$0xc]  }
0x2b: {  	[spmem:s7], [sflag:s2] =	dma.local [hbm:s0], $0xA00  }
0x2c: {  	s7 =	rddreg [dreg:$0xd]  }
0x2d: {  	[spmem:s7], [sflag:s2] =	dma.local [hbm:s0], $0xA00  }
0x2e: {  	s0 =	rddreg [dreg:$0x6]  }
0x2f: {  	[tilespmem:s3], [sflag:$0x5] =	stream.linear.gather [hbm4b:s0+s3], $0xC80, $0x38;
	[tilespmem:$0x1F800] =	vst v63  }
0x30: {  	_ =	swait.ge [sflag:s19], $0xC80  }
0x31: {  	[sflag:s19] =	ssyncset.done $0x0  }
0x32: {  	s29 =	simm.s32 $0x2000;
	s28 =	rddreg [dreg:$0x7];
	[sflag:s19] =	ssyncadd.s32 $0xFFFFF380  }
0x33: {  	[tilespmem:s29], [sflag:$0x5] =	stream.linear.gather [hbm4b:s28+s3], $0xC80, $0x38;
	[tilespmem:$0x1F800] =	vst v63  }
0x34: {  	_ =	swait.ge [sflag:s19], $0xC80  }
0x35: {  	[sflag:s19] =	ssyncset.done $0x0  }
0x36: {  	[sflag:s19] =	ssyncadd.s32 $0xFFFFF380  }
0x37: {  	_ =	swait.ge [sflag:s21], $0xA00  }
0x38: {  	[sflag:s21] =	ssyncset.done $0x0  }
0x39: {  	[sflag:s21] =	ssyncadd.s32 $0xFFFFF600  }
0x3a: {  	_ =	swait.ge [sflag:s21], $0xA00  }
0x3b: {  	[sflag:s21] =	ssyncset.done $0x0  }
0x3c: {  	[sflag:s21] =	ssyncadd.s32 $0xFFFFF600  }
0x3d: {  	_ =	swait.ge [sflag:s21], $0xA00  }
0x3e: {  	[sflag:s21] =	ssyncset.done $0x0  }
0x3f: {  	[sflag:s21] =	ssyncadd.s32 $0xFFFFF600  }
0x40: {  	s13 =	simm.s32 $0x4000;
	_ =	swait.ge [sflag:s21], $0xA00  }
0x41: {  	s30 =	simm.s32 $0x80;
	s31 =	simm.s32 $0x6800;
	[sflag:s21] =	ssyncset.done $0x0  }
.Ltmp2:
0x42: {  	p0 =	por $0x0, $0x0;
	[sflag:s21] =	ssyncadd.s32 $0xFFFFF600;
	(pc) =	sbr.rel .LBB2_2-.Ltmp2, $4  }
0x43: {  	s18 =	simm.s32 $0x3;
	s16 =	simm.s32 $0x1;
	[bflag:$0x0] =	sbarrier.arrive $0xFFFF  }
0x44: {  	[tilespmem:s13], [sflag:$0x1] =	stream.indirect.gather [hbm4b:s6+s22], $0x80, s3, s22, $0xb8;
	[tilespmem:$0x1F800] =	vst v63  }
0x45: {  	s17 =	simm.s32 $0x2;
	s14 =	simm.s32 $0x0;
	s2 =	simm.s32 $0x0  }
0x46: {  	[tilespmem:s31], [sflag:$0x2] =	stream.indirect.gather [hbm4b:s6+s22], $0x80, s30, s22, $0xb8;
	[tilespmem:$0x1F800] =	vst v63  }
.LBB2_7:
0x47: {  	s2 =	sadd.s32 $0x1, s2  }
0x48: {  	p1 =	sne.s32 s2, $0x5  }
.Ltmp3:
0x49: {  	_ = 	snop;
	(pc) =	sbr.rel @!p1 .LBB2_8-.Ltmp3, $3  }
0x4a: {  	_ =	sdelay $0x1  }
0x4b: {  	p0 =	por !p0, !p0;
	s14 =	sadd.s32 $0x19, s14;
	s18 =	sadd.s32 $0x19, s18  }
0x4c: {  	s17 =	sadd.s32 $0x19, s17;
	s16 =	sadd.s32 $0x19, s16;
	s13 =	sadd.s32 $0x3E800, s13  }
.LBB2_2:
0x4d: {  	s0 =	simm.s32 $0x1  }
0x4e: {  	s8 =	sshll.u32 s2, $0xC;
	s25 =	sand.u32 $0x1, s2;
	p2 =	seq.s32 s2, $0x4  }
0x4f: {  	s28 =	smov.u32 s13;
	s30 =	smov.u32 s16;
	s31 =	smov.u32 s17  }
.Ltmp4:
0x50: {  	s29 =	smov.u32 s18;
	s0 =	simm.s32 @!p0 $0x0;
	(pc) =	sbr.rel .LBB2_3-.Ltmp4, $4  }
0x51: {  	s10 =	sadd.s32 s8, s12;
	s8 =	sand.u32 $0x1000, s8;
	p1 =	seq.s32 s25, $0x1  }
0x52: {  	s0 =	sshll.u32 s0, $0xC;
	s11 =	sshrl.u32 s10, $0x3;
	s23 =	sxor.u32 $0x1000, s8  }
0x53: {  	s10 =	sxor.u32 $0x3000, s8;
	s8 =	simm.s32 $0x0;
	s20 =	sor.u32 $0x2000, s0  }
0x54: {  	s24 =	sadd.s32 s4, s11;
	s11 =	sadd.s32 s5, s11;
	s0 =	smov.u32 s14  }
.LBB2_5:
0x55: {  	p3 =	sne.s32 @!p2 s8, $0x17  }
0x56: {  	p3 =	por p3, p2  }
0x57: {  	s7 =	simm.s32 @!p3 $0x4  }
0x58: {  	_ =	swait.ge @!p3 [sflag:s7], $0xC80  }
0x59: {  	[sflag:s7] =	ssyncset.done @!p3 $0x0  }
0x5a: {  	[sflag:s7] =	ssyncadd.s32 @!p3 $0xFFFFF380  }
0x5b: {  	_ =	swait.ge @!p3 [sflag:s7], $0xC80  }
0x5c: {  	[sflag:s7] =	ssyncset.done @!p3 $0x0  }
0x5d: {  	[sflag:s7] =	ssyncadd.s32 @!p3 $0xFFFFF380  }
.LBB2_6:
0x5e: {  	p3 =	sgt.u32 s25, $0x7A  }
0x5f: {  	s7 =	sadd.s32 @!p3 $0x2, s25  }
0x60: {  	s9 =	sand.u32 @!p3 $0xFF, s7  }
0x61: {  	s9 =	smul.u32 @!p3 $0xAB, s9;
	_ =	sdelay $0x1  }
0x62: {  	s9 =	sshrl.u32 @!p3 s9, $0x9  }
0x63: {  	p6 =	por p1, p1;
	s9 =	smul.u32 @!p3 $0x3, s9  }
0x64: {  	p4 =	sgt.u32 @!p3 s8, $0x16;
	p5 =	por @!p3 !p1, !p1;
	s25 =	simm.s32 @!p3 $0x1000  }
0x65: {  	p4 =	por !p4, p3;
	s7 =	ssub.s32 @!p3 s7, s9;
	s9 =	simm.s32 @!p3 $0x7FFFE9  }
0x66: {  	p6 =	por @!p4 p5, p5;
	s7 =	sand.u32 @!p3 $0xFF, s7;
	s9 =	simm.s32 @p4 $0x2  }
0x67: {  	p4 =	por !p6, p3;
	s15 =	smul.u32 @!p3 $0xA000, s7;
	s9 =	sadd.s32 @!p3 s8, s9  }
0x68: {  	s25 =	simm.s32 @p4 $0x0;
	s7 =	sadd.s32 @!p3 $0x1, s7;
	s9 =	sshll.u32 @!p3 s9, $0x9  }
0x69: {  	s8 =	sadd.s32 $0x1, s8;
	s15 =	sshrl.u32 @!p3 s15, $0x2;
	s9 =	sshra.s32 @!p3 s9, $0x2  }
0x6a: {  	s15 =	sadd.s32 @!p3 $0x4000, s15;
	s9 =	sadd.s32 @!p3 s9, s25;
	s25 =	simm.s32 @!p3 $0x50  }
0x6b: {  	[tilespmem:s15], [sflag:s7] =	stream.indirect.gather @!p3 [hbm4b:s6+s25], $0x80, s9, s25, $0xb8;
	[tilespmem:$0x1F800] =	vst v63  }
0x6c: {  	p3 =	sne.s32 s8, $0x19  }
.Ltmp5:
0x6d: {  	_ = 	snop;
	(pc) =	sbr.rel @!p3 .LBB2_7-.Ltmp5, $3  }
0x6e: {  	_ =	sdelay $0x1  }
0x6f: {  	s20 =	sadd.s32 $0x80, s20;
	s29 =	sadd.s32 $0x1, s29;
	s31 =	sadd.s32 $0x1, s31  }
0x70: {  	s30 =	sadd.s32 $0x1, s30;
	s0 =	sadd.s32 $0x1, s0;
	s28 =	sadd.s32 $0x2800, s28  }
.LBB2_3:
0x71: {  	s25 =	smulhi.u32 $0xAAAAAAAB, s0;
	_ =	sdelay $0x1  }
0x72: {  	s25 =	sshrl.u32 s25, $0x1  }
0x73: {  	s7 =	smul.u32 $0xFFFFFFF4, s25;
	_ =	sdelay $0x1  }
0x74: {  	s15 =	smulhi.u32 $0xAAAAAAAB, s31;
	s7 =	sshra.s32 s7, $0x2  }
0x75: {  	p4 =	sne.s32 @!p2 s8, $0x0;
	s25 =	smul.u32 $0xFFFE2000, s25;
	s7 =	sadd.s32 s7, s30  }
0x76: {  	p4 =	por p2, p4;
	_ =	swait.ge [sflag:s7], $0x2800  }
0x77: {  	s15 =	sshrl.u32 s15, $0x1;
	s25 =	sshra.s32 s25, $0x2;
	[sflag:s7] =	ssyncset.done $0x0  }
0x78: {  	s15 =	smul.u32 $0xFFFFFFF4, s15;
	s9 =	sadd.s32 s25, s28;
	[sflag:s7] =	ssyncadd.s32 $0xFFFFD800  }
0x79: {  	[spmem:s1] =	stream.indirect.scatter.add.f32 [tilespmem:s9], [sflag:s7], $0x80, s20, s22, $0xb8;
	[tilespmem:$0x1F800] =	vst v63  }
.Ltmp6:
0x7a: {  	s15 =	sshra.s32 s15, $0x2;
	s25 =	sadd.s32 s8, s14;
	(pc) =	sbr.rel @p4 .LBB2_5-.Ltmp6, $4  }
0x7b: {  	p3 =	seq.s32 s25, $0x0;
	s7 =	sadd.s32 s15, s29  }
0x7c: {  	_ =	swait.ge @!p3 [sflag:s7], $0x2800  }
0x7d: {  	[sflag:s7] =	ssyncset.done @!p3 $0x0  }
0x7e: {  	[sflag:s7] =	ssyncadd.s32 @!p3 $0xFFFFD800  }
.Ltmp7:
0x7f: {  	(pc) =	sbr.rel .LBB2_6-.Ltmp7, $4  }
0x80: {  	_ = 	snop  }
0x81: {  	[tilespmem:s23], [sflag:$0x4] =	stream.linear.gather [hbm4b:s24+s3], $0xC80, $0x38;
	[tilespmem:$0x1F800] =	vst v63  }
0x82: {  	_ = 	snop  }
0x83: {  	[tilespmem:s10], [sflag:$0x4] =	stream.linear.gather [hbm4b:s11+s3], $0xC80, $0x38;
	[tilespmem:$0x1F800] =	vst v63  }
.LBB2_9:
0x84: {  	_ =	sfence.sel $0x180000  }
0x85: {  	[bflag:$0x0] =	sbarrier.arrive $0xFFFF  }
0x86: {  	_ =	strace $0x9000004A  }
0x87: {  	s0 =	stileid.u32;
	[bflag:$0x2] =	sbarrier.arrive $0xFFFF  }
0x88: {  	p0 =	sne.s32 s0, $0x0;
	s0 =	rddreg [dreg:$0x2]  }
0x89: {  	s0 =	sadd.s32 @!p0 $0x100000, s0  }
0x8a: {  	[sflag:s0] =	ssyncadd.tile.s32 @!p0 $0x1;
	_ =	shalt  }
.Lfunc_end2:
_tile_overlayer_lowered:
.L_overlay_start_2:
0x8b: {  	(tag) =	ssettag $0x2  }
0x8c: {  	s0 =	rddreg [dreg:$0x0];
	s2 =	stileid.u32  }
0x8d: {  	s1 =	rddreg [dreg:$0x1];
	p0 =	sne.s32 s2, $0x0  }
0x8e: {  	s3 =	rddreg [dreg:$0x2];
	[bflag:$0x3] =	sbarrier.arrive $0xFFFF;
	s2 =	simm.s32 @!p0 $0x1C05  }
0x8f: {  	[timem:s3], [sflag:s2] =	dma.local @!p0 [hbm:s0], s1  }
0x90: {  	s0 =	simm.s32 @!p0 $0x5  }
0x91: {  	_ =	swait.ge @!p0 [sflag:s0], s1  }
0x92: {  	s1 =	ssub.s32 @!p0 $0x0, s1;
	[sflag:s0] =	ssyncset.done @!p0 $0x0  }
0x93: {  	[sflag:s0] =	ssyncadd.s32 @!p0 s1  }
0x94: {  	[bflag:$0x3] =	sbarrier.arrive $0xFFFF  }
0x95: {  	_ =	shalt  }

// kernel: kernel.14.cloned.1.call-start
scs
__scs_entry_jumppad:
0x0: {  	(pc) =	sbr.rel $0x88, $3  }
0x1: {  	(tag) =	ssettag $0x0;
	lr =	simm.s32 $0x1  }
0x2: {  	[smem:$0x3F9B] =	sst lr;
	_ =	strace $0xD0000000  }
0x3: {  	_ = 	snop  }
0x4: {  	_ = 	snop  }
0x5: {  	_ = 	snop  }
0x6: {  	_ = 	snop  }
0x7: {  	_ = 	snop  }
__scs_overlays_trampoline_lowered:
0x8: {  	[smem:$0x3FAA] =	sst s0  }
0x9: {  	[smem:$0x3FAB] =	sst s1  }
0xa: {  	[smem:$0x3FAC] =	sst s2  }
0xb: {  	[smem:$0x3FAD] =	sst s3  }
0xc: {  	[smem:$0x3FAE] =	sst s4  }
0xd: {  	[smem:$0x3FAF] =	sst s5  }
0xe: {  	[smem:$0x3FB0] =	sst s6  }
0xf: {  	[smem:$0x3FB1] =	sst s7  }
0x10: {  	[smem:$0x3FB2] =	sst s8  }
0x11: {  	[smem:$0x3FB3] =	sst s9;
	s0 =	simm.s32 @!p0 $0x0  }
0x12: {  	s1 =	sld [smem:$0x3F99];
	s0 =	simm.s32 @p0 $0x1  }
0x13: {  	[smem:$0x3FB4] =	sst s0;
	s0 =	simm.s32 @!p1 $0x0  }
0x14: {  	s2 =	sld [smem:$0x3F98];
	s0 =	simm.s32 @p1 $0x1  }
0x15: {  	[smem:$0x3FB5] =	sst s0;
	s0 =	simm.s32 @!p2 $0x0  }
0x16: {  	s3 =	sld [smem:$0x3FDB];
	s0 =	simm.s32 @p2 $0x1  }
0x17: {  	s4 =	simm.s32 $0x1BF5;
	[smem:$0x3FB7] =	sst s0  }
0x18: {  	s0 =	sld [smem:$0x3F9A];
	_ =	swait.ge [sflag:s4], $0x0  }
0x19: {  	s7 =	sld [smem:$0x3F9B]  }
0x1a: {  	s8 =	sadd.s32 $0xFFFFE003, lr  }
0x1b: {  	s9 =	sadd.s32 $0xFFFFFEF7, lr;
	s5 =	simm.s32 $0xFFFFFFFF;
	p2 =	slt.u32 s8, $0xFFFFF086  }
0x1c: {  	p1 =	slt.u32 s9, $0xF7A;
	s5 =	simm.s32 @!p2 $0x0  }
0x1d: {  	s5 =	simm.s32 @p1 $0x1;
	p0 =	seq.s32 s7, s2  }
0x1e: {  	s7 =	smul.u32 @!p0 $0xF7A, s2;
	p2 =	seq.s32 @!p0 s5, $0x0  }
0x1f: {  	s9 =	smul.u32 $0xF7A, s1;
	s8 =	simm.s32 @!p0 $0x1BF5;
	p2 =	por !p2, p0  }
0x20: {  	[sflag:s8] =	ssyncset.s32 @!p0 $0xFFFFF086;
	s6 =	sadd.s32 @!p0 s3, s7;
	s7 =	simm.s32 @!p0 $0x108  }
0x21: {  	s3 =	sadd.s32 s3, s9;
	s6 =	sadd.s32 @!p0 $0x88, s6;
	s7 =	simm.s32 @p2 $0x1082  }
0x22: {  	[simem:s7], [sflag:s8] =	dma.local @!p0 [hbm:s6], $0xF7A  }
0x23: {  	s9 =	sor.u32 $0xD0000000, s2;
	s6 =	simm.s32 $0x108;
	_ =	swait.ge @!p0 [sflag:s8], $0x0  }
0x24: {  	s3 =	sadd.s32 $0x88, s3;
	s6 =	simm.s32 @!p1 $0x1082;
	[sflag:s4] =	ssyncset.s32 $0xFFFFF086  }
0x25: {  	[simem:s6], [sflag:s4] =	dma.local [hbm:s3], $0xF7A  }
0x26: {  	[smem:$0x3F9B] =	sst s1;
	(tag) =	ssettag s2;
	_ =	strace s9  }
0x27: {  	s1 =	sld [smem:$0x3FAB]  }
0x28: {  	s2 =	sld [smem:$0x3FAC]  }
0x29: {  	s4 =	sld [smem:$0x3FAE]  }
0x2a: {  	p0 =	seq.s32 s5, $0x0;
	s5 =	sld [smem:$0x3FAF]  }
0x2b: {  	s6 =	sld [smem:$0x3FB0]  }
0x2c: {  	s7 =	sld [smem:$0x3FB1]  }
0x2d: {  	s3 =	simm.s32 $0x108;
	s8 =	sld [smem:$0x3FB2]  }
0x2e: {  	s3 =	simm.s32 @!p0 $0x1082;
	s9 =	sld [smem:$0x3FB3]  }
0x2f: {  	lr =	sadd.s32 s0, s3;
	s0 =	sld [smem:$0x3FAA]  }
0x30: {  	s3 =	sld [smem:$0x3FAD]  }
0x31: {  	[smem:$0x3FB6] =	sst s10  }
0x32: {  	s10 =	sld [smem:$0x3FB4];
	_ =	sdelay $0x3  }
0x33: {  	p0 =	seq.s32 s10, $0x1;
	s10 =	sld [smem:$0x3FB6];
	_ =	sdelay $0x3  }
0x34: {  	[smem:$0x3FB6] =	sst s10  }
0x35: {  	s10 =	sld [smem:$0x3FB5];
	_ =	sdelay $0x3  }
0x36: {  	p1 =	seq.s32 s10, $0x1;
	s10 =	sld [smem:$0x3FB6];
	_ =	sdelay $0x3  }
0x37: {  	[smem:$0x3FB6] =	sst s10  }
0x38: {  	s10 =	sld [smem:$0x3FB7]  }
0x39: {  	_ = 	snop;
	(pc) =	sbr.ind lr, $3  }
0x3a: {  	_ = 	snop  }
0x3b: {  	_ = 	snop  }
0x3c: {  	p2 =	seq.s32 s10, $0x1;
	s10 =	sld [smem:$0x3FB6]  }
0x3d: {  	_ =	shalt  }
0x3e: {  	_ =	shalt  }
0x3f: {  	_ =	shalt  }
0x40: {  	_ =	shalt  }
0x41: {  	_ =	shalt  }
0x42: {  	_ =	shalt  }
0x43: {  	_ =	shalt  }
0x44: {  	_ =	shalt  }
0x45: {  	_ =	shalt  }
0x46: {  	_ =	shalt  }
0x47: {  	_ =	shalt  }
0x48: {  	_ =	shalt  }
0x49: {  	_ =	shalt  }
0x4a: {  	_ =	shalt  }
0x4b: {  	_ =	shalt  }
0x4c: {  	_ =	shalt  }
0x4d: {  	_ =	shalt  }
0x4e: {  	_ =	shalt  }
0x4f: {  	_ =	shalt  }
0x50: {  	_ =	shalt  }
0x51: {  	_ =	shalt  }
0x52: {  	_ =	shalt  }
0x53: {  	_ =	shalt  }
0x54: {  	_ =	shalt  }
0x55: {  	_ =	shalt  }
0x56: {  	_ =	shalt  }
0x57: {  	_ =	shalt  }
0x58: {  	_ =	shalt  }
0x59: {  	_ =	shalt  }
0x5a: {  	_ =	shalt  }
0x5b: {  	_ =	shalt  }
0x5c: {  	_ =	shalt  }
0x5d: {  	_ =	shalt  }
0x5e: {  	_ =	shalt  }
0x5f: {  	_ =	shalt  }
0x60: {  	_ =	shalt  }
0x61: {  	_ =	shalt  }
0x62: {  	_ =	shalt  }
0x63: {  	_ =	shalt  }
0x64: {  	_ =	shalt  }
0x65: {  	_ =	shalt  }
0x66: {  	_ =	shalt  }
0x67: {  	_ =	shalt  }
0x68: {  	_ =	shalt  }
0x69: {  	_ =	shalt  }
0x6a: {  	_ =	shalt  }
0x6b: {  	_ =	shalt  }
0x6c: {  	_ =	shalt  }
0x6d: {  	_ =	shalt  }
0x6e: {  	_ =	shalt  }
0x6f: {  	_ =	shalt  }
0x70: {  	_ =	shalt  }
0x71: {  	_ =	shalt  }
0x72: {  	_ =	shalt  }
0x73: {  	_ =	shalt  }
0x74: {  	_ =	shalt  }
0x75: {  	_ =	shalt  }
0x76: {  	_ =	shalt  }
0x77: {  	_ =	shalt  }
0x78: {  	_ =	shalt  }
0x79: {  	_ =	shalt  }
0x7a: {  	_ =	shalt  }
0x7b: {  	_ =	shalt  }
0x7c: {  	_ =	shalt  }
0x7d: {  	_ =	shalt  }
0x7e: {  	_ =	shalt  }
0x7f: {  	_ =	shalt  }
0x80: {  	_ =	shalt  }
0x81: {  	_ =	shalt  }
0x82: {  	_ =	shalt  }
0x83: {  	_ =	shalt  }
0x84: {  	_ =	shalt  }
0x85: {  	_ =	shalt  }
0x86: {  	_ =	shalt  }
0x87: {  	_ =	shalt  }
.Lfunc_end0:
.L_simem_size_0:
called_computation.2_lowered:
.L_overlay_start_0:
0x88: {  	s2 =	sld [smem:$0x3FD9]  }
0x89: {  	s3 =	sld [smem:$0x3FFE];
	_ =	sdelay $0x1  }
0x8a: {  	s1 =	srdreg.scid  }
0x8b: {  	s0 =	sand.u32 $0x1, s1  }
0x8c: {  	s16 =	sshll.u32 s0, $0xA;
	s2 =	sadd.s32 s3, s2  }
0x8d: {  	s2 =	sadd.s32 s2, s16  }
0x8e: {  	[smem:$0x3FC2] =	sst s2  }
0x8f: {  	_ = 	snop  }
0x90: {  	(tm) =	ssettm $0x1  }
0x91: {  	s17 =	sld [smem:$0x3FFB];
	_ =	sdelay $0x3  }
0x92: {  	_ =	strace s17  }
0x93: {  	s2 =	sld [smem:$0x3FFC];
	_ =	sdelay $0x3  }
0x94: {  	_ =	strace s2  }
0x95: {  	s2 =	sld [smem:$0x3FFD];
	_ =	sdelay $0x3  }
0x96: {  	_ =	strace s2  }
0x97: {  	_ =	strace $0x8FFFFFFF  }
0x98: {  	s18 =	sld [smem:$0x3FDB];
	_ =	sdelay $0x1  }
0x99: {  	s19 =	simm.s32 $_scs_section_size  }
0x9a: {  	s4 =	simm.s32 $_size__tile_overlayer_lowered;
	s5 =	simm.s32 $_tile_overlayer_lowered  }
0x9b: {  	s22 =	simm.s32 $0x1BFF;
	s21 =	sshll.u32 s5, $0x1;
	s2 =	sadd.s32 s19, s18  }
0x9c: {  	s6 =	simm.s32 $0x0;
	s20 =	sshll.u32 s4, $0x1;
	s4 =	sadd.s32 s21, s2  }
0x9d: {  	[timem:s6], [sflag:s22] =	dma.local [hbm:s4], s20  }
0x9e: {  	_ =	swait.ge [sflag:s22], s20  }
0x9f: {  	s3 =	ssub.s32 $0x0, s20;
	[sflag:s22] =	ssyncset.done $0x0  }
0xa0: {  	[sflag:s22] =	ssyncadd.s32 s3;
	_ =	sdelay $0x1  }
0xa1: {  	s23 =	simm.s32 $0x1B8B  }
0xa2: {  	_ =	swait.ge [sflag:s23], $0x1  }
0xa3: {  	[sflag:s23] =	ssyncset.done $0x0  }
0xa4: {  	s25 =	simm.s32 $0x1B8E;
	s24 =	sld [smem:$0x3FFE];
	[sflag:s23] =	ssyncadd.s32 $0xFFFFFFFF  }
0xa5: {  	s26 =	simm.s32 $execute0_lowered;
	[smem:$0x3FD2] =	sst s25  }
0xa6: {  	s4 =	sshll.u32 s26, $0x1;
	_ =	strace $0x8000004C;
	[dreg:$0x1] =	wrdreg $0xFFFFFFFF  }
0xa7: {  	s28 =	simm.s32 $_size_execute0_lowered;
	s2 =	sadd.s32 s2, s4;
	[dreg:$0x0] =	wrdreg $0x0  }
0xa8: {  	s4 =	sshll.u32 s28, $0x1;
	[dreg:$0x2] =	wrdreg s2  }
0xa9: {  	[dreg:$0x3] =	wrdreg s4  }
0xaa: {  	[dreg:$0x4] =	wrdreg $0xC0  }
0xab: {  	_ =	task [dreg:s6], $0x5FFFF  }
0xac: {  	[dreg:$0x1] =	wrdreg $0xFFFFFFFF  }
0xad: {  	[dreg:$0x0] =	wrdreg $0x60  }
0xae: {  	[dreg:$0x2] =	wrdreg s24  }
0xaf: {  	[dreg:$0x3] =	wrdreg $0xB8000  }
0xb0: {  	[dreg:$0x4] =	wrdreg $0x9  }
0xb1: {  	_ =	task.clear_ibuf [dreg:s6], $0x5FFFF;
	_ =	strace $0x9000004C  }
0xb2: {  	s29 =	simm.s32 $0x9;
	_ =	strace $0x8000004E  }
0xb3: {  	_ =	swait.ge [sflag:s29], $0x1  }
0xb4: {  	[sflag:s29] =	ssyncadd.s32 $0xFFFFFFFF  }
0xb5: {  	_ =	strace $0x9000004E  }
0xb6: {  	_ =	sfence  }
0xb7: {  	s30 =	sld [smem:$0x0];
	_ =	sdelay $0x2  }
0xb8: {  	s31 =	sshll.u32 s1, $0xD;
	s1 =	sshrl.u32 s1, $0x2  }
0xb9: {  	s3 =	sand.u32 $0x4000, s31;
	s1 =	sadd.s32 s1, s30  }
0xba: {  	s0 =	sor.u32 s3, s0;
	s1 =	sshll.u32 s1, $0x11  }
0xbb: {  	s0 =	sor.u32 s1, s0  }
0xbc: {  	s0 =	sadd.s32 $0x8F2B, s0  }
0xbd: {  	[sflag:s0] =	ssyncadd.remote.s32 $0x1  }
0xbe: {  	_ =	sfence.sel $0xFFFF  }
0xbf: {  	[dreg:$0x0] =	wrdreg $0xFFFFFFFF;
	(pc) =	sbr.abs _section_cstart, $3  }
0xc0: {  	[dreg:$0x1] =	wrdreg $0xFFFFFFFF  }
0xc1: {  	_ =	task.clear_ibuf [dreg:s6], $0x2FFFF;
	_ =	strace $0x9FFFFFFF  }
0xc2: {  	(tm) =	ssettm $0x7FFFFFFF  }
0xc3: {  	_ =	shalt  }
tec
execute0_lowered:
.L_overlay_start_1:
0x0: {  	(tag) =	ssettag $0x1  }
0x1: {  	s0 =	rddreg [dreg:$0x0]  }
0x2: {  	s1 =	rddreg [dreg:$0x1];
	s3 =	simm.s32 $0x0;
	s2 =	srdreg.scid  }
0x3: {  	s11 =	stileid.u32;
	[smem:$0x7FF] =	sst s3  }
0x4: {  	s2 =	sand.u32 $0x1, s2;
	s8 =	smul.u32 $0x14000, s11;
	s4 =	sadd.s32 $0x23400, s0  }
0x5: {  	s5 =	sadd.s32 $0x37400, s0;
	s9 =	sshll.u32 s11, $0x1;
	s6 =	sadd.s32 $0x4B400, s0  }
0x6: {  	s19 =	sadd.s32 $0x1E00, s0;
	s21 =	sshll.u32 s11, $0x6;
	s11 =	smul.u32 $0x50000, s11  }
0x7: {  	s7 =	smul.u32 $0x140000, s2;
	_ =	strace $0x8000004D;
	[dreg:$0x3] =	wrdreg s19  }
0x8: {  	s17 =	sor.u32 s2, s9;
	s2 =	ssub.s32 $0x2, s2;
	[dreg:$0x4] =	wrdreg s21  }
0x9: {  	s19 =	simm.s32 $0x5;
	s20 =	sshrl.u32 s2, $0x1;
	s24 =	sshrl.u32 s11, $0x2  }
0xa: {  	s7 =	sadd.s32 s8, s7;
	s8 =	smul.u32 $0x5000, s17;
	s2 =	ssub.s32 s2, s20  }
0xb: {  	s25 =	sadd.s32 s24, s1;
	s18 =	sshrl.u32 s7, $0x3;
	s7 =	sor.u32 $0x1C04, s21  }
0xc: {  	s2 =	smax.u32 s2, $0x1;
	s26 =	sadd.s32 $0x5000, s25;
	[dreg:$0x5] =	wrdreg s7  }
0xd: {  	s28 =	sadd.s32 $0xF000, s25;
	[dreg:$0x9] =	wrdreg s2;
	s29 =	sshrl.u32 s26, $0x3  }
0xe: {  	s0 =	sadd.s32 s18, s0;
	s31 =	sshrl.u32 s28, $0x3;
	[dreg:$0xb] =	wrdreg s29  }
0xf: {  	s10 =	sshrl.u32 s8, $0x3;
	s7 =	sshrl.u32 s25, $0x3;
	[dreg:$0xd] =	wrdreg s31  }
.Ltmp0:
0x10: {  	s22 =	sadd.s32 s4, s10;
	[dreg:$0xa] =	wrdreg s7;
	(pc) =	sbr.rel .LBB2_1-.Ltmp0, $4  }
0x11: {  	s12 =	sadd.s32 $0x1000, s8;
	s23 =	sadd.s32 s5, s10;
	[dreg:$0x6] =	wrdreg s22  }
0x12: {  	s8 =	sadd.s32 $0xA000, s25;
	s0 =	sadd.s32 $0x72600, s0;
	[dreg:$0x7] =	wrdreg s23  }
0x13: {  	s21 =	simm.s32 $0x4;
	s30 =	sshrl.u32 s8, $0x3;
	[dreg:$0x8] =	wrdreg s0  }
0x14: {  	s26 =	simm.s32 $0x0;
	[dreg:$0xc] =	wrdreg s30;
	s22 =	simm.s32 $0x50  }
.LBB2_8:
0x15: {  	s0 =	simm.s32 $0x2  }
0x16: {  	_ =	swait.ge [sflag:s0], $0x2800  }
0x17: {  	[sflag:s0] =	ssyncset.done $0x0  }
0x18: {  	[sflag:s0] =	ssyncadd.s32 $0xFFFFD800  }
0x19: {  	[bflag:$0x0] =	sbarrier.arrive $0xFFFF  }
0x1a: {  	s30 =	rddreg [dreg:$0x4]  }
0x1b: {  	s2 =	rddreg [dreg:$0x8]  }
0x1c: {  	s7 =	rddreg [dreg:$0xa];
	s0 =	sor.u32 $0x1C05, s30  }
0x1d: {  	[hbm:s2], [sflag:s0] =	dma.local [spmem:s7], $0x2800  }
0x1e: {  	_ =	swait.ge [sflag:s19], $0x2800  }
0x1f: {  	s26 =	sadd.s32 $0x1, s26;
	s31 =	rddreg [dreg:$0x9]  }
0x20: {  	p0 =	sne.s32 s26, s31  }
.Ltmp1:
0x21: {  	_ = 	snop;
	(pc) =	sbr.rel @!p0 .LBB2_9-.Ltmp1, $3  }
0x22: {  	_ =	sdelay $0x1  }
0x23: {  	[sflag:s19] =	ssyncset.done $0x0  }
0x24: {  	[sflag:s19] =	ssyncadd.s32 $0xFFFFD800  }
.LBB2_1:
0x25: {  	s0 =	rddreg [dreg:$0x3]  }
0x26: {  	s2 =	rddreg [dreg:$0x5]  }
0x27: {  	[spmem:s7], [sflag:s2] =	dma.local [hbm:s0], $0xA00  }
0x28: {  	s7 =	rddreg [dreg:$0xb]  }
0x29: {  	[spmem:s7], [sflag:s2] =	dma.local [hbm:s0], $0xA00  }
0x2a: {  	s7 =	rddreg [dreg:$0xc]  }
0x2b: {  	[spmem:s7], [sflag:s2] =	dma.local [hbm:s0], $0xA00  }
0x2c: {  	s7 =	rddreg [dreg:$0xd]  }
0x2d: {  	[spmem:s7], [sflag:s2] =	dma.local [hbm:s0], $0xA00  }
0x2e: {  	s0 =	rddreg [dreg:$0x6]  }
0x2f: {  	[tilespmem:s3], [sflag:$0x5] =	stream.linear.gather [hbm4b:s0+s3], $0xC80, $0x38;
	[tilespmem:$0x1F800] =	vst v63  }
0x30: {  	_ =	swait.ge [sflag:s19], $0xC80  }
0x31: {  	[sflag:s19] =	ssyncset.done $0x0  }
0x32: {  	s29 =	simm.s32 $0x2000;
	s28 =	rddreg [dreg:$0x7];
	[sflag:s19] =	ssyncadd.s32 $0xFFFFF380  }
0x33: {  	[tilespmem:s29], [sflag:$0x5] =	stream.linear.gather [hbm4b:s28+s3], $0xC80, $0x38;
	[tilespmem:$0x1F800] =	vst v63  }
0x34: {  	_ =	swait.ge [sflag:s19], $0xC80  }
0x35: {  	[sflag:s19] =	ssyncset.done $0x0  }
0x36: {  	[sflag:s19] =	ssyncadd.s32 $0xFFFFF380  }
0x37: {  	_ =	swait.ge [sflag:s21], $0xA00  }
0x38: {  	[sflag:s21] =	ssyncset.done $0x0  }
0x39: {  	[sflag:s21] =	ssyncadd.s32 $0xFFFFF600  }
0x3a: {  	_ =	swait.ge [sflag:s21], $0xA00  }
0x3b: {  	[sflag:s21] =	ssyncset.done $0x0  }
0x3c: {  	[sflag:s21] =	ssyncadd.s32 $0xFFFFF600  }
0x3d: {  	_ =	swait.ge [sflag:s21], $0xA00  }
0x3e: {  	[sflag:s21] =	ssyncset.done $0x0  }
0x3f: {  	[sflag:s21] =	ssyncadd.s32 $0xFFFFF600  }
0x40: {  	s13 =	simm.s32 $0x4000;
	_ =	swait.ge [sflag:s21], $0xA00  }
0x41: {  	s30 =	simm.s32 $0x80;
	s31 =	simm.s32 $0x6800;
	[sflag:s21] =	ssyncset.done $0x0  }
.Ltmp2:
0x42: {  	p0 =	por $0x0, $0x0;
	[sflag:s21] =	ssyncadd.s32 $0xFFFFF600;
	(pc) =	sbr.rel .LBB2_2-.Ltmp2, $4  }
0x43: {  	s18 =	simm.s32 $0x3;
	s16 =	simm.s32 $0x1;
	[bflag:$0x0] =	sbarrier.arrive $0xFFFF  }
0x44: {  	[tilespmem:s13], [sflag:$0x1] =	stream.indirect.gather [hbm4b:s6+s22], $0x80, s3, s22, $0xb8;
	[tilespmem:$0x1F800] =	vst v63  }
0x45: {  	s17 =	simm.s32 $0x2;
	s14 =	simm.s32 $0x0;
	s2 =	simm.s32 $0x0  }
0x46: {  	[tilespmem:s31], [sflag:$0x2] =	stream.indirect.gather [hbm4b:s6+s22], $0x80, s30, s22, $0xb8;
	[tilespmem:$0x1F800] =	vst v63  }
.LBB2_7:
0x47: {  	s2 =	sadd.s32 $0x1, s2  }
0x48: {  	p1 =	sne.s32 s2, $0x5  }
.Ltmp3:
0x49: {  	_ = 	snop;
	(pc) =	sbr.rel @!p1 .LBB2_8-.Ltmp3, $3  }
0x4a: {  	_ =	sdelay $0x1  }
0x4b: {  	p0 =	por !p0, !p0;
	s14 =	sadd.s32 $0x19, s14;
	s18 =	sadd.s32 $0x19, s18  }
0x4c: {  	s17 =	sadd.s32 $0x19, s17;
	s16 =	sadd.s32 $0x19, s16;
	s13 =	sadd.s32 $0x3E800, s13  }
.LBB2_2:
0x4d: {  	s0 =	simm.s32 $0x1  }
0x4e: {  	s8 =	sshll.u32 s2, $0xC;
	s25 =	sand.u32 $0x1, s2;
	p2 =	seq.s32 s2, $0x4  }
0x4f: {  	s28 =	smov.u32 s13;
	s30 =	smov.u32 s16;
	s31 =	smov.u32 s17  }
.Ltmp4:
0x50: {  	s29 =	smov.u32 s18;
	s0 =	simm.s32 @!p0 $0x0;
	(pc) =	sbr.rel .LBB2_3-.Ltmp4, $4  }
0x51: {  	s10 =	sadd.s32 s8, s12;
	s8 =	sand.u32 $0x1000, s8;
	p1 =	seq.s32 s25, $0x1  }
0x52: {  	s0 =	sshll.u32 s0, $0xC;
	s11 =	sshrl.u32 s10, $0x3;
	s23 =	sxor.u32 $0x1000, s8  }
0x53: {  	s10 =	sxor.u32 $0x3000, s8;
	s8 =	simm.s32 $0x0;
	s20 =	sor.u32 $0x2000, s0  }
0x54: {  	s24 =	sadd.s32 s4, s11;
	s11 =	sadd.s32 s5, s11;
	s0 =	smov.u32 s14  }
.LBB2_5:
0x55: {  	p3 =	sne.s32 @!p2 s8, $0x17  }
0x56: {  	p3 =	por p3, p2  }
0x57: {  	s7 =	simm.s32 @!p3 $0x4  }
0x58: {  	_ =	swait.ge @!p3 [sflag:s7], $0xC80  }
0x59: {  	[sflag:s7] =	ssyncset.done @!p3 $0x0  }
0x5a: {  	[sflag:s7] =	ssyncadd.s32 @!p3 $0xFFFFF380  }
0x5b: {  	_ =	swait.ge @!p3 [sflag:s7], $0xC80  }
0x5c: {  	[sflag:s7] =	ssyncset.done @!p3 $0x0  }
0x5d: {  	[sflag:s7] =	ssyncadd.s32 @!p3 $0xFFFFF380  }
.LBB2_6:
0x5e: {  	p3 =	sgt.u32 s25, $0x7A  }
0x5f: {  	s7 =	sadd.s32 @!p3 $0x2, s25  }
0x60: {  	s9 =	sand.u32 @!p3 $0xFF, s7  }
0x61: {  	s9 =	smul.u32 @!p3 $0xAB, s9;
	_ =	sdelay $0x1  }
0x62: {  	s9 =	sshrl.u32 @!p3 s9, $0x9  }
0x63: {  	p6 =	por p1, p1;
	s9 =	smul.u32 @!p3 $0x3, s9  }
0x64: {  	p4 =	sgt.u32 @!p3 s8, $0x16;
	p5 =	por @!p3 !p1, !p1;
	s25 =	simm.s32 @!p3 $0x1000  }
0x65: {  	p4 =	por !p4, p3;
	s7 =	ssub.s32 @!p3 s7, s9;
	s9 =	simm.s32 @!p3 $0x7FFFE9  }
0x66: {  	p6 =	por @!p4 p5, p5;
	s7 =	sand.u32 @!p3 $0xFF, s7;
	s9 =	simm.s32 @p4 $0x2  }
0x67: {  	p4 =	por !p6, p3;
	s15 =	smul.u32 @!p3 $0xA000, s7;
	s9 =	sadd.s32 @!p3 s8, s9  }
0x68: {  	s25 =	simm.s32 @p4 $0x0;
	s7 =	sadd.s32 @!p3 $0x1, s7;
	s9 =	sshll.u32 @!p3 s9, $0x9  }
0x69: {  	s8 =	sadd.s32 $0x1, s8;
	s15 =	sshrl.u32 @!p3 s15, $0x2;
	s9 =	sshra.s32 @!p3 s9, $0x2  }
0x6a: {  	s15 =	sadd.s32 @!p3 $0x4000, s15;
	s9 =	sadd.s32 @!p3 s9, s25;
	s25 =	simm.s32 @!p3 $0x50  }
0x6b: {  	[tilespmem:s15], [sflag:s7] =	stream.indirect.gather @!p3 [hbm4b:s6+s25], $0x80, s9, s25, $0xb8;
	[tilespmem:$0x1F800] =	vst v63  }
0x6c: {  	p3 =	sne.s32 s8, $0x19  }
.Ltmp5:
0x6d: {  	_ = 	snop;
	(pc) =	sbr.rel @!p3 .LBB2_7-.Ltmp5, $3  }
0x6e: {  	_ =	sdelay $0x1  }
0x6f: {  	s20 =	sadd.s32 $0x80, s20;
	s29 =	sadd.s32 $0x1, s29;
	s31 =	sadd.s32 $0x1, s31  }
0x70: {  	s30 =	sadd.s32 $0x1, s30;
	s0 =	sadd.s32 $0x1, s0;
	s28 =	sadd.s32 $0x2800, s28  }
.LBB2_3:
0x71: {  	s25 =	smulhi.u32 $0xAAAAAAAB, s0;
	_ =	sdelay $0x1  }
0x72: {  	s25 =	sshrl.u32 s25, $0x1  }
0x73: {  	s7 =	smul.u32 $0xFFFFFFF4, s25;
	_ =	sdelay $0x1  }
0x74: {  	s15 =	smulhi.u32 $0xAAAAAAAB, s31;
	s7 =	sshra.s32 s7, $0x2  }
0x75: {  	p4 =	sne.s32 @!p2 s8, $0x0;
	s25 =	smul.u32 $0xFFFE2000, s25;
	s7 =	sadd.s32 s7, s30  }
0x76: {  	p4 =	por p2, p4;
	_ =	swait.ge [sflag:s7], $0x2800  }
0x77: {  	s15 =	sshrl.u32 s15, $0x1;
	s25 =	sshra.s32 s25, $0x2;
	[sflag:s7] =	ssyncset.done $0x0  }
0x78: {  	s15 =	smul.u32 $0xFFFFFFF4, s15;
	s9 =	sadd.s32 s25, s28;
	[sflag:s7] =	ssyncadd.s32 $0xFFFFD800  }
0x79: {  	[spmem:s1] =	stream.indirect.scatter.add.f32 [tilespmem:s9], [sflag:s7], $0x80, s20, s22, $0xb8;
	[tilespmem:$0x1F800] =	vst v63  }
.Ltmp6:
0x7a: {  	s15 =	sshra.s32 s15, $0x2;
	s25 =	sadd.s32 s8, s14;
	(pc) =	sbr.rel @p4 .LBB2_5-.Ltmp6, $4  }
0x7b: {  	p3 =	seq.s32 s25, $0x0;
	s7 =	sadd.s32 s15, s29  }
0x7c: {  	_ =	swait.ge @!p3 [sflag:s7], $0x2800  }
0x7d: {  	[sflag:s7] =	ssyncset.done @!p3 $0x0  }
0x7e: {  	[sflag:s7] =	ssyncadd.s32 @!p3 $0xFFFFD800  }
.Ltmp7:
0x7f: {  	(pc) =	sbr.rel .LBB2_6-.Ltmp7, $4  }
0x80: {  	_ = 	snop  }
0x81: {  	[tilespmem:s23], [sflag:$0x4] =	stream.linear.gather [hbm4b:s24+s3], $0xC80, $0x38;
	[tilespmem:$0x1F800] =	vst v63  }
0x82: {  	_ = 	snop  }
0x83: {  	[tilespmem:s10], [sflag:$0x4] =	stream.linear.gather [hbm4b:s11+s3], $0xC80, $0x38;
	[tilespmem:$0x1F800] =	vst v63  }
.LBB2_9:
0x84: {  	_ =	sfence.sel $0x180000  }
0x85: {  	[bflag:$0x0] =	sbarrier.arrive $0xFFFF  }
0x86: {  	_ =	strace $0x9000004D  }
0x87: {  	s0 =	stileid.u32;
	[bflag:$0x2] =	sbarrier.arrive $0xFFFF  }
0x88: {  	p0 =	sne.s32 s0, $0x0;
	s0 =	rddreg [dreg:$0x2]  }
0x89: {  	s0 =	sadd.s32 @!p0 $0x100000, s0  }
0x8a: {  	[sflag:s0] =	ssyncadd.tile.s32 @!p0 $0x1;
	_ =	shalt  }
.Lfunc_end2:
_tile_overlayer_lowered:
.L_overlay_start_2:
0x8b: {  	(tag) =	ssettag $0x2  }
0x8c: {  	s0 =	rddreg [dreg:$0x0];
	s2 =	stileid.u32  }
0x8d: {  	s1 =	rddreg [dreg:$0x1];
	p0 =	sne.s32 s2, $0x0  }
0x8e: {  	s3 =	rddreg [dreg:$0x2];
	[bflag:$0x3] =	sbarrier.arrive $0xFFFF;
	s2 =	simm.s32 @!p0 $0x1C05  }
0x8f: {  	[timem:s3], [sflag:s2] =	dma.local @!p0 [hbm:s0], s1  }
0x90: {  	s0 =	simm.s32 @!p0 $0x5  }
0x91: {  	_ =	swait.ge @!p0 [sflag:s0], s1  }
0x92: {  	s1 =	ssub.s32 @!p0 $0x0, s1;
	[sflag:s0] =	ssyncset.done @!p0 $0x0  }
0x93: {  	[sflag:s0] =	ssyncadd.s32 @!p0 s1  }
0x94: {  	[bflag:$0x3] =	sbarrier.arrive $0xFFFF  }
0x95: {  	_ =	shalt  }

// kernel: kernel.8.cloned.1.call-start
scs
__scs_entry_jumppad:
0x0: {  	(pc) =	sbr.rel $0x88, $3  }
0x1: {  	(tag) =	ssettag $0x0;
	lr =	simm.s32 $0x1  }
0x2: {  	[smem:$0x3F9B] =	sst lr;
	_ =	strace $0xD0000000  }
0x3: {  	_ = 	snop  }
0x4: {  	_ = 	snop  }
0x5: {  	_ = 	snop  }
0x6: {  	_ = 	snop  }
0x7: {  	_ = 	snop  }
__scs_overlays_trampoline_lowered:
0x8: {  	[smem:$0x3FAA] =	sst s0  }
0x9: {  	[smem:$0x3FAB] =	sst s1  }
0xa: {  	[smem:$0x3FAC] =	sst s2  }
0xb: {  	[smem:$0x3FAD] =	sst s3  }
0xc: {  	[smem:$0x3FAE] =	sst s4  }
0xd: {  	[smem:$0x3FAF] =	sst s5  }
0xe: {  	[smem:$0x3FB0] =	sst s6  }
0xf: {  	[smem:$0x3FB1] =	sst s7  }
0x10: {  	[smem:$0x3FB2] =	sst s8  }
0x11: {  	[smem:$0x3FB3] =	sst s9;
	s0 =	simm.s32 @!p0 $0x0  }
0x12: {  	s1 =	sld [smem:$0x3F99];
	s0 =	simm.s32 @p0 $0x1  }
0x13: {  	[smem:$0x3FB4] =	sst s0;
	s0 =	simm.s32 @!p1 $0x0  }
0x14: {  	s2 =	sld [smem:$0x3F98];
	s0 =	simm.s32 @p1 $0x1  }
0x15: {  	[smem:$0x3FB5] =	sst s0;
	s0 =	simm.s32 @!p2 $0x0  }
0x16: {  	s3 =	sld [smem:$0x3FDB];
	s0 =	simm.s32 @p2 $0x1  }
0x17: {  	s4 =	simm.s32 $0x1BF5;
	[smem:$0x3FB7] =	sst s0  }
0x18: {  	s0 =	sld [smem:$0x3F9A];
	_ =	swait.ge [sflag:s4], $0x0  }
0x19: {  	s7 =	sld [smem:$0x3F9B]  }
0x1a: {  	s8 =	sadd.s32 $0xFFFFE003, lr  }
0x1b: {  	s9 =	sadd.s32 $0xFFFFFEF7, lr;
	s5 =	simm.s32 $0xFFFFFFFF;
	p2 =	slt.u32 s8, $0xFFFFF086  }
0x1c: {  	p1 =	slt.u32 s9, $0xF7A;
	s5 =	simm.s32 @!p2 $0x0  }
0x1d: {  	s5 =	simm.s32 @p1 $0x1;
	p0 =	seq.s32 s7, s2  }
0x1e: {  	s7 =	smul.u32 @!p0 $0xF7A, s2;
	p2 =	seq.s32 @!p0 s5, $0x0  }
0x1f: {  	s9 =	smul.u32 $0xF7A, s1;
	s8 =	simm.s32 @!p0 $0x1BF5;
	p2 =	por !p2, p0  }
0x20: {  	[sflag:s8] =	ssyncset.s32 @!p0 $0xFFFFF086;
	s6 =	sadd.s32 @!p0 s3, s7;
	s7 =	simm.s32 @!p0 $0x108  }
0x21: {  	s3 =	sadd.s32 s3, s9;
	s6 =	sadd.s32 @!p0 $0x88, s6;
	s7 =	simm.s32 @p2 $0x1082  }
0x22: {  	[simem:s7], [sflag:s8] =	dma.local @!p0 [hbm:s6], $0xF7A  }
0x23: {  	s9 =	sor.u32 $0xD0000000, s2;
	s6 =	simm.s32 $0x108;
	_ =	swait.ge @!p0 [sflag:s8], $0x0  }
0x24: {  	s3 =	sadd.s32 $0x88, s3;
	s6 =	simm.s32 @!p1 $0x1082;
	[sflag:s4] =	ssyncset.s32 $0xFFFFF086  }
0x25: {  	[simem:s6], [sflag:s4] =	dma.local [hbm:s3], $0xF7A  }
0x26: {  	[smem:$0x3F9B] =	sst s1;
	(tag) =	ssettag s2;
	_ =	strace s9  }
0x27: {  	s1 =	sld [smem:$0x3FAB]  }
0x28: {  	s2 =	sld [smem:$0x3FAC]  }
0x29: {  	s4 =	sld [smem:$0x3FAE]  }
0x2a: {  	p0 =	seq.s32 s5, $0x0;
	s5 =	sld [smem:$0x3FAF]  }
0x2b: {  	s6 =	sld [smem:$0x3FB0]  }
0x2c: {  	s7 =	sld [smem:$0x3FB1]  }
0x2d: {  	s3 =	simm.s32 $0x108;
	s8 =	sld [smem:$0x3FB2]  }
0x2e: {  	s3 =	simm.s32 @!p0 $0x1082;
	s9 =	sld [smem:$0x3FB3]  }
0x2f: {  	lr =	sadd.s32 s0, s3;
	s0 =	sld [smem:$0x3FAA]  }
0x30: {  	s3 =	sld [smem:$0x3FAD]  }
0x31: {  	[smem:$0x3FB6] =	sst s10  }
0x32: {  	s10 =	sld [smem:$0x3FB4];
	_ =	sdelay $0x3  }
0x33: {  	p0 =	seq.s32 s10, $0x1;
	s10 =	sld [smem:$0x3FB6];
	_ =	sdelay $0x3  }
0x34: {  	[smem:$0x3FB6] =	sst s10  }
0x35: {  	s10 =	sld [smem:$0x3FB5];
	_ =	sdelay $0x3  }
0x36: {  	p1 =	seq.s32 s10, $0x1;
	s10 =	sld [smem:$0x3FB6];
	_ =	sdelay $0x3  }
0x37: {  	[smem:$0x3FB6] =	sst s10  }
0x38: {  	s10 =	sld [smem:$0x3FB7]  }
0x39: {  	_ = 	snop;
	(pc) =	sbr.ind lr, $3  }
0x3a: {  	_ = 	snop  }
0x3b: {  	_ = 	snop  }
0x3c: {  	p2 =	seq.s32 s10, $0x1;
	s10 =	sld [smem:$0x3FB6]  }
0x3d: {  	_ =	shalt  }
0x3e: {  	_ =	shalt  }
0x3f: {  	_ =	shalt  }
0x40: {  	_ =	shalt  }
0x41: {  	_ =	shalt  }
0x42: {  	_ =	shalt  }
0x43: {  	_ =	shalt  }
0x44: {  	_ =	shalt  }
0x45: {  	_ =	shalt  }
0x46: {  	_ =	shalt  }
0x47: {  	_ =	shalt  }
0x48: {  	_ =	shalt  }
0x49: {  	_ =	shalt  }
0x4a: {  	_ =	shalt  }
0x4b: {  	_ =	shalt  }
0x4c: {  	_ =	shalt  }
0x4d: {  	_ =	shalt  }
0x4e: {  	_ =	shalt  }
0x4f: {  	_ =	shalt  }
0x50: {  	_ =	shalt  }
0x51: {  	_ =	shalt  }
0x52: {  	_ =	shalt  }
0x53: {  	_ =	shalt  }
0x54: {  	_ =	shalt  }
0x55: {  	_ =	shalt  }
0x56: {  	_ =	shalt  }
0x57: {  	_ =	shalt  }
0x58: {  	_ =	shalt  }
0x59: {  	_ =	shalt  }
0x5a: {  	_ =	shalt  }
0x5b: {  	_ =	shalt  }
0x5c: {  	_ =	shalt  }
0x5d: {  	_ =	shalt  }
0x5e: {  	_ =	shalt  }
0x5f: {  	_ =	shalt  }
0x60: {  	_ =	shalt  }
0x61: {  	_ =	shalt  }
0x62: {  	_ =	shalt  }
0x63: {  	_ =	shalt  }
0x64: {  	_ =	shalt  }
0x65: {  	_ =	shalt  }
0x66: {  	_ =	shalt  }
0x67: {  	_ =	shalt  }
0x68: {  	_ =	shalt  }
0x69: {  	_ =	shalt  }
0x6a: {  	_ =	shalt  }
0x6b: {  	_ =	shalt  }
0x6c: {  	_ =	shalt  }
0x6d: {  	_ =	shalt  }
0x6e: {  	_ =	shalt  }
0x6f: {  	_ =	shalt  }
0x70: {  	_ =	shalt  }
0x71: {  	_ =	shalt  }
0x72: {  	_ =	shalt  }
0x73: {  	_ =	shalt  }
0x74: {  	_ =	shalt  }
0x75: {  	_ =	shalt  }
0x76: {  	_ =	shalt  }
0x77: {  	_ =	shalt  }
0x78: {  	_ =	shalt  }
0x79: {  	_ =	shalt  }
0x7a: {  	_ =	shalt  }
0x7b: {  	_ =	shalt  }
0x7c: {  	_ =	shalt  }
0x7d: {  	_ =	shalt  }
0x7e: {  	_ =	shalt  }
0x7f: {  	_ =	shalt  }
0x80: {  	_ =	shalt  }
0x81: {  	_ =	shalt  }
0x82: {  	_ =	shalt  }
0x83: {  	_ =	shalt  }
0x84: {  	_ =	shalt  }
0x85: {  	_ =	shalt  }
0x86: {  	_ =	shalt  }
0x87: {  	_ =	shalt  }
.Lfunc_end0:
.L_simem_size_0:
called_computation_lowered:
.L_overlay_start_0:
0x88: {  	s2 =	sld [smem:$0x3FD9]  }
0x89: {  	s3 =	sld [smem:$0x3FFE];
	_ =	sdelay $0x1  }
0x8a: {  	s1 =	srdreg.scid  }
0x8b: {  	s0 =	sand.u32 $0x1, s1  }
0x8c: {  	s17 =	sshll.u32 s0, $0xA;
	s2 =	sadd.s32 s3, s2  }
0x8d: {  	s2 =	sadd.s32 s2, s17  }
0x8e: {  	[smem:$0x3FC2] =	sst s2  }
0x8f: {  	_ = 	snop  }
0x90: {  	s2 =	sld [smem:$0x3FD0];
	(tm) =	ssettm $0x1  }
0x91: {  	s18 =	sld [smem:$0x3FFB];
	_ =	sdelay $0x3  }
0x92: {  	_ =	strace s18  }
0x93: {  	s3 =	sld [smem:$0x3FFC];
	_ =	sdelay $0x3  }
0x94: {  	_ =	strace s3  }
0x95: {  	s3 =	sld [smem:$0x3FFD];
	_ =	sdelay $0x3  }
0x96: {  	_ =	strace s3  }
0x97: {  	_ =	strace $0x8FFFFFFF  }
0x98: {  	s19 =	sld [smem:$0x3FDB];
	_ =	sdelay $0x1  }
0x99: {  	s4 =	simm.s32 $_scs_section_size  }
0x9a: {  	s5 =	simm.s32 $_size__tile_overlayer_lowered;
	s6 =	simm.s32 $_tile_overlayer_lowered  }
0x9b: {  	s22 =	simm.s32 $0x1BFF;
	s21 =	sshll.u32 s6, $0x1;
	s3 =	sadd.s32 s4, s19  }
0x9c: {  	s7 =	simm.s32 $0x0;
	s20 =	sshll.u32 s5, $0x1;
	s5 =	sadd.s32 s21, s3  }
0x9d: {  	[timem:s7], [sflag:s22] =	dma.local [hbm:s5], s20  }
0x9e: {  	_ =	swait.ge [sflag:s22], s20  }
0x9f: {  	s4 =	ssub.s32 $0x0, s20;
	[sflag:s22] =	ssyncset.done $0x0  }
0xa0: {  	[sflag:s22] =	ssyncadd.s32 s4;
	_ =	sdelay $0x1  }
0xa1: {  	s23 =	simm.s32 $0x1B8B  }
0xa2: {  	_ =	swait.ge [sflag:s23], $0x1  }
0xa3: {  	[sflag:s23] =	ssyncset.done $0x0  }
0xa4: {  	s25 =	simm.s32 $0x1B8E;
	s24 =	sld [smem:$0x3FFE];
	[sflag:s23] =	ssyncadd.s32 $0xFFFFFFFF  }
0xa5: {  	s26 =	simm.s32 $execute0_lowered;
	[smem:$0x3FD2] =	sst s25  }
0xa6: {  	s5 =	sshll.u32 s26, $0x1;
	_ =	strace $0x80000046;
	[dreg:$0x1] =	wrdreg $0xFFFFFFFF  }
0xa7: {  	s28 =	simm.s32 $_size_execute0_lowered;
	s3 =	sadd.s32 s3, s5;
	[dreg:$0x0] =	wrdreg $0x0  }
0xa8: {  	s5 =	sshll.u32 s28, $0x1;
	[dreg:$0x2] =	wrdreg s3  }
0xa9: {  	[dreg:$0x3] =	wrdreg s5  }
0xaa: {  	[dreg:$0x4] =	wrdreg $0xC0  }
0xab: {  	_ =	task [dreg:s7], $0x5FFFF  }
0xac: {  	[dreg:$0x1] =	wrdreg $0xFFFFFFFF  }
0xad: {  	[dreg:$0x0] =	wrdreg $0x60  }
0xae: {  	[dreg:$0x2] =	wrdreg s24  }
0xaf: {  	[dreg:$0x3] =	wrdreg s2  }
0xb0: {  	[dreg:$0x4] =	wrdreg $0x80800  }
0xb1: {  	[dreg:$0x5] =	wrdreg $0x83000  }
0xb2: {  	[dreg:$0x6] =	wrdreg $0x9  }
0xb3: {  	_ =	task.clear_ibuf [dreg:s7], $0x7FFFF;
	_ =	strace $0x90000046  }
0xb4: {  	s29 =	simm.s32 $0x9;
	_ =	strace $0x80000048  }
0xb5: {  	_ =	swait.ge [sflag:s29], $0x1  }
0xb6: {  	[sflag:s29] =	ssyncadd.s32 $0xFFFFFFFF  }
0xb7: {  	_ =	strace $0x90000048  }
0xb8: {  	_ =	sfence  }
0xb9: {  	s30 =	sld [smem:$0x0];
	_ =	sdelay $0x2  }
0xba: {  	s31 =	sshll.u32 s1, $0xD;
	s1 =	sshrl.u32 s1, $0x2  }
0xbb: {  	s3 =	sand.u32 $0x4000, s31;
	s1 =	sadd.s32 s1, s30  }
0xbc: {  	s0 =	sor.u32 s3, s0;
	s1 =	sshll.u32 s1, $0x11  }
0xbd: {  	s0 =	sor.u32 s1, s0  }
0xbe: {  	s0 =	sadd.s32 $0x8F2B, s0  }
0xbf: {  	[sflag:s0] =	ssyncadd.remote.s32 $0x1  }
0xc0: {  	_ =	sfence.sel $0xFFFF  }
0xc1: {  	[dreg:$0x0] =	wrdreg $0xFFFFFFFF;
	(pc) =	sbr.abs _section_cstart, $3  }
0xc2: {  	[dreg:$0x1] =	wrdreg $0xFFFFFFFF  }
0xc3: {  	_ =	task.clear_ibuf [dreg:s7], $0x2FFFF;
	_ =	strace $0x9FFFFFFF  }
0xc4: {  	(tm) =	ssettm $0x7FFFFFFF  }
0xc5: {  	_ =	shalt  }
tec
execute0_lowered:
.L_overlay_start_1:
0x0: {  	(tag) =	ssettag $0x1  }
0x1: {  	s0 =	rddreg [dreg:$0x0]  }
0x2: {  	s2 =	rddreg [dreg:$0x2]  }
0x3: {  	s3 =	rddreg [dreg:$0x3];
	s4 =	srdreg.scid  }
0x4: {  	s5 =	simm.s32 $0x0;
	s1 =	stileid.u32;
	s14 =	simm.s32 $0x3  }
0x5: {  	s16 =	simm.s32 $0x4000;
	s17 =	simm.s32 $0x8000;
	s18 =	simm.s32 $0x50  }
0x6: {  	s19 =	simm.s32 $0x80;
	s20 =	simm.s32 $0x4080;
	s21 =	simm.s32 $0x100  }
0x7: {  	s22 =	simm.s32 $0x4100;
	s23 =	simm.s32 $0x180;
	s28 =	simm.s32 $0x20  }
0x8: {  	s29 =	simm.s32 $0x10;
	s30 =	simm.s32 $0x0;
	s10 =	smul.u32 $0x500, s1  }
0x9: {  	s6 =	sand.u32 $0x1, s4;
	s8 =	sshll.u32 s1, $0xC;
	s25 =	smul.u32 $0x280, s1  }
0xa: {  	[smem:$0x7FF] =	sst s5;
	s31 =	sshll.u32 s1, $0x6;
	s7 =	smul.u32 $0x5000, s6  }
0xb: {  	s9 =	sshll.u32 s6, $0xB;
	_ =	strace $0x80000047;
	s24 =	ssub.s32 $0x2, s6  }
0xc: {  	s6 =	sadd.s32 $0x21E00, s0;
	s8 =	sor.u32 s9, s8;
	s26 =	sshrl.u32 s24, $0x1  }
0xd: {  	s13 =	sadd.s32 s25, s2;
	s15 =	sadd.s32 s25, s3;
	s25 =	simm.s32 $0x1  }
0xe: {  	s9 =	sadd.s32 s8, s0;
	s7 =	sadd.s32 s10, s7;
	s12 =	ssub.s32 s24, s26  }
0xf: {  	s13 =	sshrl.u32 s13, $0x3;
	s15 =	sshrl.u32 s15, $0x3;
	s24 =	simm.s32 $0x4180  }
0x10: {  	s26 =	simm.s32 $0x2;
	s7 =	sshrl.u32 s7, $0x3;
	s8 =	sadd.s32 $0x1E00, s9  }
0x11: {  	s9 =	sadd.s32 $0x11E00, s9;
	s12 =	smax.u32 s12, $0x1;
	s0 =	sadd.s32 s7, s0  }
0x12: {  	s7 =	sor.u32 $0x1C03, s31;
	s10 =	sadd.s32 $0x22000, s0;
	s11 =	sadd.s32 $0x22010, s0  }
.LBB2_1:
0x13: {  	[spmem:s13], [sflag:s7] =	dma.local [hbm:s6], $0x50  }
0x14: {  	_ =	swait.ge [sflag:s14], $0x50  }
0x15: {  	[sflag:s14] =	ssyncset.done $0x0  }
0x16: {  	[sflag:s14] =	ssyncadd.s32 $0xFFFFFFB0  }
0x17: {  	[spmem:s15], [sflag:s7] =	dma.local [hbm:s6], $0x50  }
0x18: {  	_ =	swait.ge [sflag:s14], $0x50  }
0x19: {  	[sflag:s14] =	ssyncset.done $0x0  }
0x1a: {  	[sflag:s14] =	ssyncadd.s32 $0xFFFFFFB0  }
0x1b: {  	[tilespmem:s5], [sflag:$0x3] =	stream.linear.gather [hbm4b:s8+s5], $0x3E80, $0x38;
	[tilespmem:$0x8580] =	vst v63  }
0x1c: {  	_ =	swait.ge [sflag:s14], $0x3E80  }
0x1d: {  	[sflag:s14] =	ssyncset.done $0x0  }
0x1e: {  	[sflag:s14] =	ssyncadd.s32 $0xFFFFC180  }
0x1f: {  	[tilespmem:s16], [sflag:$0x3] =	stream.linear.gather [hbm4b:s9+s5], $0x3E80, $0x38;
	[tilespmem:$0x8580] =	vst v63  }
0x20: {  	_ =	swait.ge [sflag:s14], $0x3E80  }
0x21: {  	[sflag:s14] =	ssyncset.done $0x0  }
0x22: {  	[sflag:s14] =	ssyncadd.s32 $0xFFFFC180  }
0x23: {  	s0 =	rddreg [dreg:$0x1]  }
0x24: {  	[tilespmem:s17], [sflag:$0x3] =	stream.linear.gather [hbm4b:s0+s5], $0x80, $0x38;
	[tilespmem:$0x8580] =	vst v63  }
0x25: {  	_ =	swait.ge [sflag:s14], $0x80  }
0x26: {  	[sflag:s14] =	ssyncset.done $0x0  }
0x27: {  	[sflag:s14] =	ssyncadd.s32 $0xFFFFFF80  }
0x28: {  	[bflag:$0x0] =	sbarrier.arrive $0xFFFF  }
0x29: {  	[spmem:s2] =	stream.indirect.scatter.add.f32 [tilespmem:s17], [sflag:$0x1], $0x1, s5, s18, $0xb8;
	[tilespmem:$0x8580] =	vst v63  }
0x2a: {  	_ = 	snop  }
0x2b: {  	[spmem:s3] =	stream.indirect.scatter.add.f32 [tilespmem:s17], [sflag:$0x2], $0x1, s16, s18, $0xb8;
	[tilespmem:$0x8580] =	vst v63  }
0x2c: {  	_ = 	snop  }
0x2d: {  	[spmem:s2] =	stream.indirect.scatter.add.f32 [tilespmem:s17], [sflag:$0x1], $0x1, s19, s18, $0xb8;
	[tilespmem:$0x8580] =	vst v63  }
0x2e: {  	_ = 	snop  }
0x2f: {  	[spmem:s3] =	stream.indirect.scatter.add.f32 [tilespmem:s17], [sflag:$0x2], $0x1, s20, s18, $0xb8;
	[tilespmem:$0x8580] =	vst v63  }
0x30: {  	_ = 	snop  }
0x31: {  	[spmem:s2] =	stream.indirect.scatter.add.f32 [tilespmem:s17], [sflag:$0x1], $0x1, s21, s18, $0xb8;
	[tilespmem:$0x8580] =	vst v63  }
0x32: {  	_ = 	snop  }
0x33: {  	[spmem:s3] =	stream.indirect.scatter.add.f32 [tilespmem:s17], [sflag:$0x2], $0x1, s22, s18, $0xb8;
	[tilespmem:$0x8580] =	vst v63  }
0x34: {  	_ = 	snop  }
0x35: {  	[spmem:s2] =	stream.indirect.scatter.add.f32 [tilespmem:s17], [sflag:$0x1], $0x1, s23, s18, $0xb8;
	[tilespmem:$0x8580] =	vst v63  }
0x36: {  	_ = 	snop  }
0x37: {  	[spmem:s3] =	stream.indirect.scatter.add.f32 [tilespmem:s17], [sflag:$0x2], $0x1, s24, s18, $0xb8;
	[tilespmem:$0x8580] =	vst v63  }
0x38: {  	s1 =	simm.s32 $0x200  }
0x39: {  	[spmem:s2] =	stream.indirect.scatter.add.f32 [tilespmem:s17], [sflag:$0x1], $0x1, s1, s18, $0xb8;
	[tilespmem:$0x8580] =	vst v63  }
0x3a: {  	s4 =	simm.s32 $0x4200  }
0x3b: {  	[spmem:s3] =	stream.indirect.scatter.add.f32 [tilespmem:s17], [sflag:$0x2], $0x1, s4, s18, $0xb8;
	[tilespmem:$0x8580] =	vst v63  }
0x3c: {  	_ =	swait.ge [sflag:s25], $0x50  }
0x3d: {  	[sflag:s25] =	ssyncset.done $0x0  }
0x3e: {  	[sflag:s25] =	ssyncadd.s32 $0xFFFFFFB0  }
0x3f: {  	_ =	swait.ge [sflag:s26], $0x50  }
0x40: {  	s31 =	simm.s32 $0xA00;
	s0 =	simm.s32 $0xC00;
	[sflag:s26] =	ssyncset.done $0x0  }
.LBB2_2:
0x41: {  	s4 =	sshra.s32 s31, $0x2  }
0x42: {  	[sflag:s26] =	ssyncadd.s32 $0xFFFFFFB0;
	s31 =	smov.u32 s0;
	s1 =	sadd.s32 $0x200, s0  }
0x43: {  	[spmem:s2] =	stream.indirect.scatter.add.f32 [tilespmem:s17], [sflag:$0x1], $0x1, s4, s18, $0xb8;
	[tilespmem:$0x8580] =	vst v63  }
0x44: {  	p0 =	sne.s32 s0, $0xF800;
	s0 =	sadd.s32 $0x4000, s4  }
0x45: {  	[spmem:s3] =	stream.indirect.scatter.add.f32 [tilespmem:s17], [sflag:$0x2], $0x1, s0, s18, $0xb8;
	[tilespmem:$0x8580] =	vst v63  }
.Ltmp0:
0x46: {  	_ =	swait.ge [sflag:s25], $0x50;
	(pc) =	sbr.rel @p0 .LBB2_2-.Ltmp0, $4  }
0x47: {  	[sflag:s25] =	ssyncset.done $0x0  }
0x48: {  	[sflag:s25] =	ssyncadd.s32 $0xFFFFFFB0  }
0x49: {  	_ =	swait.ge [sflag:s26], $0x50  }
0x4a: {  	s0 =	smov.u32 s1;
	[sflag:s26] =	ssyncset.done $0x0  }
0x4b: {  	s0 =	sshra.s32 s31, $0x2;
	[sflag:s26] =	ssyncadd.s32 $0xFFFFFFB0  }
0x4c: {  	[spmem:s2] =	stream.indirect.scatter.add.f32 [tilespmem:s17], [sflag:$0x1], $0x1, s0, s18, $0xb8;
	[tilespmem:$0x8580] =	vst v63  }
0x4d: {  	s0 =	sadd.s32 $0x4000, s0  }
0x4e: {  	[spmem:s3] =	stream.indirect.scatter.add.f32 [tilespmem:s17], [sflag:$0x2], $0x1, s0, s18, $0xb8;
	[tilespmem:$0x8580] =	vst v63  }
0x4f: {  	_ =	swait.ge [sflag:s25], $0x50  }
0x50: {  	[sflag:s25] =	ssyncset.done $0x0  }
0x51: {  	[sflag:s25] =	ssyncadd.s32 $0xFFFFFFB0  }
0x52: {  	_ =	swait.ge [sflag:s26], $0x50  }
0x53: {  	[sflag:s26] =	ssyncset.done $0x0  }
0x54: {  	[sflag:s26] =	ssyncadd.s32 $0xFFFFFFB0  }
0x55: {  	_ =	swait.ge [sflag:s25], $0x50  }
0x56: {  	[sflag:s25] =	ssyncset.done $0x0  }
0x57: {  	[sflag:s25] =	ssyncadd.s32 $0xFFFFFFB0  }
0x58: {  	_ =	swait.ge [sflag:s26], $0x50  }
0x59: {  	[sflag:s26] =	ssyncset.done $0x0  }
0x5a: {  	[sflag:s26] =	ssyncadd.s32 $0xFFFFFFB0  }
0x5b: {  	_ =	swait.ge [sflag:s25], $0x50  }
0x5c: {  	[sflag:s25] =	ssyncset.done $0x0  }
0x5d: {  	[sflag:s25] =	ssyncadd.s32 $0xFFFFFFB0  }
0x5e: {  	_ =	swait.ge [sflag:s26], $0x50  }
0x5f: {  	[sflag:s26] =	ssyncset.done $0x0  }
0x60: {  	[sflag:s26] =	ssyncadd.s32 $0xFFFFFFB0  }
0x61: {  	_ =	swait.ge [sflag:s25], $0x50  }
0x62: {  	[sflag:s25] =	ssyncset.done $0x0  }
0x63: {  	[sflag:s25] =	ssyncadd.s32 $0xFFFFFFB0  }
0x64: {  	_ =	swait.ge [sflag:s26], $0x50  }
0x65: {  	[sflag:s26] =	ssyncset.done $0x0  }
0x66: {  	[sflag:s26] =	ssyncadd.s32 $0xFFFFFFB0  }
0x67: {  	_ =	swait.ge [sflag:s25], $0x50  }
0x68: {  	[sflag:s25] =	ssyncset.done $0x0  }
0x69: {  	[sflag:s25] =	ssyncadd.s32 $0xFFFFFFB0  }
0x6a: {  	_ =	swait.ge [sflag:s26], $0x50  }
0x6b: {  	[sflag:s26] =	ssyncset.done $0x0  }
0x6c: {  	[sflag:s26] =	ssyncadd.s32 $0xFFFFFFB0  }
0x6d: {  	[bflag:$0x0] =	sbarrier.arrive $0xFFFF  }
0x6e: {  	[hbm:s10@s28], [sflag:s7] =	dma.strided [spmem:s13@s29], $0x50, s25, $0x10   }
0x6f: {  	s30 =	sadd.s32 $0x1, s30;
	_ =	swait.ge [sflag:s14], $0x50  }
0x70: {  	p0 =	sne.s32 s30, s12;
	[sflag:s14] =	ssyncset.done $0x0  }
.Ltmp1:
0x71: {  	[sflag:s14] =	ssyncadd.s32 $0xFFFFFFB0;
	(pc) =	sbr.rel @p0 .LBB2_1-.Ltmp1, $4  }
0x72: {  	[hbm:s11@s28], [sflag:s7] =	dma.strided [spmem:s15@s29], $0x50, s25, $0x10   }
0x73: {  	_ =	swait.ge [sflag:s14], $0x50  }
0x74: {  	[sflag:s14] =	ssyncset.done $0x0  }
0x75: {  	[sflag:s14] =	ssyncadd.s32 $0xFFFFFFB0  }
0x76: {  	_ =	sfence.sel $0x180000  }
0x77: {  	[bflag:$0x0] =	sbarrier.arrive $0xFFFF  }
0x78: {  	_ =	strace $0x90000047  }
0x79: {  	s0 =	stileid.u32;
	[bflag:$0x2] =	sbarrier.arrive $0xFFFF  }
0x7a: {  	p0 =	sne.s32 s0, $0x0;
	s0 =	rddreg [dreg:$0x4]  }
0x7b: {  	s0 =	sadd.s32 @!p0 $0x100000, s0  }
0x7c: {  	[sflag:s0] =	ssyncadd.tile.s32 @!p0 $0x1;
	_ =	shalt  }
.Lfunc_end2:
_tile_overlayer_lowered:
.L_overlay_start_2:
0x7d: {  	(tag) =	ssettag $0x2  }
0x7e: {  	s0 =	rddreg [dreg:$0x0];
	s2 =	stileid.u32  }
0x7f: {  	s1 =	rddreg [dreg:$0x1];
	p0 =	sne.s32 s2, $0x0  }
0x80: {  	s3 =	rddreg [dreg:$0x2];
	[bflag:$0x3] =	sbarrier.arrive $0xFFFF;
	s2 =	simm.s32 @!p0 $0x1C03  }
0x81: {  	[timem:s3], [sflag:s2] =	dma.local @!p0 [hbm:s0], s1  }
0x82: {  	s0 =	simm.s32 @!p0 $0x3  }
0x83: {  	_ =	swait.ge @!p0 [sflag:s0], s1  }
0x84: {  	s1 =	ssub.s32 @!p0 $0x0, s1;
	[sflag:s0] =	ssyncset.done @!p0 $0x0  }
0x85: {  	[sflag:s0] =	ssyncadd.s32 @!p0 s1  }
0x86: {  	[bflag:$0x3] =	sbarrier.arrive $0xFFFF  }
0x87: {  	_ =	shalt  }

</sc_bundles>
